<compile_context>
chip_gen: v7x
topology: tpu7x:2x2x1
jax: 0.10.2.dev20260603
libtpu: 0.0.44.dev20260713+nightly
codegen_flags: <defaults>
</compile_context>

<pallas_src>
import functools

import jax
import jax.numpy as jnp
from jax import lax
from jax.experimental import pallas as pl
from jax.experimental.pallas import tpu as pltpu
from jax.experimental.pallas import tpu_sc as plsc

NUM_LAYERS = 12
NUM_TABLES = 3
REPS = NUM_LAYERS // NUM_TABLES


def _sc_lookup(idx, w0, w1, w2):
    (n,) = idx.shape
    _, d = w0.shape

    info = plsc.get_sparse_core_info()
    nc, ns = info.num_cores, info.num_subcores
    nw = nc * ns
    tpw = n // nw
    chunk = 120
    splits = ((0, 120), (120, 8))

    mesh = plsc.VectorSubcoreMesh(core_axis_name="c", subcore_axis_name="s")

    @functools.partial(
        pl.kernel,
        mesh=mesh,
        out_type=jax.ShapeDtypeStruct((NUM_LAYERS, n, d), jnp.float32),
        scratch_types=[
            pltpu.VMEM((tpw,), jnp.int32),
            pltpu.VMEM((chunk, d), jnp.float32),
            pltpu.SemaphoreType.DMA,
            pltpu.SemaphoreType.DMA,
        ],
    )
    def k(idx_hbm, w0_hbm, w1_hbm, w2_hbm, out_hbm, idx_v, buf, gsem, ssem):
        wid = lax.axis_index("s") * nc + lax.axis_index("c")
        base = wid * tpw
        pltpu.sync_copy(idx_hbm.at[pl.ds(base, tpw)], idx_v)
        tables = (w0_hbm, w1_hbm, w2_hbm)

        for t in range(NUM_TABLES):
            for off, cs in splits:
                pltpu.async_copy(
                    tables[t].at[idx_v.at[pl.ds(off, cs)]],
                    buf.at[pl.ds(0, cs), :],
                    gsem,
                ).wait()
                pending = [
                    pltpu.async_copy(
                        buf.at[pl.ds(0, cs), :],
                        out_hbm.at[t + NUM_TABLES * r, pl.ds(base + off, cs), :],
                        ssem,
                    )
                    for r in range(REPS)
                ]
                for c in pending:
                    c.wait()

    return k(idx, w0, w1, w2)


def kernel(input_seq, W0, W1, W2):
    b, s = input_seq.shape
    _, d = W0.shape
    idx = input_seq.reshape(b * s)
    out = _sc_lookup(idx, W0, W1, W2)
    return out.reshape(NUM_LAYERS, b, s, d)

# --- scband reference (transcript-rebuilt; emitter-appended) ---
"""Pipeline reference for scband-value-embedding-15668040696071 (READ-ONLY COPY).

The authoritative reference and input builder live on the scoring server;
editing this copy changes nothing except your own understanding.
"""

import jax, jax.numpy as jnp
import numpy as np

NUM_LAYERS = 12
NUM_UNIQUE = min(3, (NUM_LAYERS + 2) // 3)  # = 3
VOCAB = 100000
DIM = 1024
B, S = 2, 2048


def setup_inputs(seed: int = 0) -> dict:
    key = jax.random.key(seed)
    k0, k1, k2, k3 = jax.random.split(key, 4)
    input_seq = jax.random.randint(k0, (B, S), 0, VOCAB, dtype=jnp.int32)
    W0 = jax.random.normal(k1, (VOCAB, DIM), dtype=jnp.float32) * 0.02
    W1 = jax.random.normal(k2, (VOCAB, DIM), dtype=jnp.float32) * 0.02
    W2 = jax.random.normal(k3, (VOCAB, DIM), dtype=jnp.float32) * 0.02
    return {"input_seq": input_seq, "W0": W0, "W1": W1, "W2": W2}


def reference(input_seq, W0, W1, W2):
    tables = [W0, W1, W2]
    # ve = [emb(input_seq) for emb in self.embed]
    ve = [jnp.take(t, input_seq, axis=0) for t in tables]
    # num_layers > 3 branch: pattern[i] = ve[i] for i < len(ve), else ve[i % len(ve)]
    pattern = []
    for i in range(NUM_LAYERS):
        if i < len(ve):
            pattern.append(ve[i])
        else:
            idx = i % len(ve)
            pattern.append(ve[idx])
    # stack the list output into a single array [num_layers, B, S, D]
    return jnp.stack(pattern, axis=0)

if __name__ == "__main__":
    import jax
    _d = setup_inputs()
    print(jax.jit(kernel)(*tuple(_d.values())))

</pallas_src>

<mosaic_0001>
#map = affine_map<(d0, d1) -> (0)>
#map1 = affine_map<(d0, d1) -> (0, 0)>
#map2 = affine_map<(d0, d1) -> (0, 0, 0)>
module attributes {stable_mosaic.version = 14 : i64} {
  func.func @k(%arg0: i32, %arg1: i32, %arg2: memref<4096xi32, #tpu.memory_space<hbm>>, %arg3: memref<100000x1024xf32, #tpu.memory_space<hbm>>, %arg4: memref<100000x1024xf32, #tpu.memory_space<hbm>>, %arg5: memref<100000x1024xf32, #tpu.memory_space<hbm>>, %arg6: memref<12x4096x1024xf32, #tpu.memory_space<hbm>>, %arg7: memref<128xi32, #tpu.memory_space<vmem>>, %arg8: memref<120x1024xf32, #tpu.memory_space<vmem>>, %arg9: memref<!tpu.dma_semaphore, #tpu.memory_space<semaphore_mem>>, %arg10: memref<!tpu.dma_semaphore, #tpu.memory_space<semaphore_mem>>) attributes {dimension_semantics = [#tpu.dimension_semantics<core_parallel>, #tpu.dimension_semantics<subcore_parallel>], iteration_bounds = array<i64: 2, 16>, scalar_prefetch = 0 : i64, scratch_operands = 4 : i64, tpu.core_type = #tpu.core_type<sc_vector_subcore>, window_params = [{transform_indices = #map}, {transform_indices = #map1}, {transform_indices = #map1}, {transform_indices = #map1}, {transform_indices = #map2}]} {
    %mul3A = arith.constant 2 : i32
    %mul3A_0 = arith.muli %arg1, %mul3A : i32
    %add3A = arith.addi %mul3A_0, %arg0 : i32
    %mul3A_1 = arith.constant 128 : i32
    %mul3A_2 = arith.muli %add3A, %mul3A_1 : i32
    "tpu.region"() ({
      %run_scoped3A = tpu.sem_alloc : memref<!tpu.dma_semaphore, #tpu.memory_space<semaphore_mem>>
      %dma_start3A_769 = tpu.memref_slice %arg2[%mul3A_2] : memref<4096xi32, #tpu.memory_space<hbm>> -> memref<128xi32, #tpu.memory_space<hbm>>
      %dma_start3A_770 = tpu.memref_slice %arg2[%mul3A_2] : memref<4096xi32, #tpu.memory_space<hbm>> -> memref<128xi32, #tpu.memory_space<hbm>>
      tpu.enqueue_dma source(%dma_start3A_770 : memref<128xi32, #tpu.memory_space<hbm>>) target(%arg7 : memref<128xi32, #tpu.memory_space<vmem>>) target_semaphore(%run_scoped3A : memref<!tpu.dma_semaphore, #tpu.memory_space<semaphore_mem>>)
      %dma_wait3A_771 = tpu.memref_slice %arg2[%mul3A_2] : memref<4096xi32, #tpu.memory_space<hbm>> -> memref<128xi32, #tpu.memory_space<hbm>>
      %dma_wait3A_772 = tpu.memref_slice %arg2[%mul3A_2] : memref<4096xi32, #tpu.memory_space<hbm>> -> memref<128xi32, #tpu.memory_space<hbm>>
      tpu.wait_dma2 semaphore(%run_scoped3A : memref<!tpu.dma_semaphore, #tpu.memory_space<semaphore_mem>>) src(%dma_wait3A_772 : memref<128xi32, #tpu.memory_space<hbm>>) dst(%arg7 : memref<128xi32, #tpu.memory_space<vmem>>)
      tpu.yield
    }) : () -> ()
    %dma_start3A = arith.constant 0 : i32
    %dma_start3A_3 = arith.constant 0 : i32
    %dma_start3A_4 = tpu.memref_slice %arg8[%dma_start3A, %dma_start3A_3] : memref<120x1024xf32, #tpu.memory_space<vmem>> -> memref<120x1024xf32, #tpu.memory_space<vmem>>
    %dma_start3A_5 = arith.constant 0 : i32
    %dma_start3A_6 = tpu.memref_slice %arg7[%dma_start3A_5] : memref<128xi32, #tpu.memory_space<vmem>> -> memref<120xi32, #tpu.memory_space<vmem>>
    %dma_start3A_7 = arith.constant 0 : i32
    %dma_start3A_8 = arith.constant 0 : i32
    %dma_start3A_9 = tpu.memref_slice %arg3[%dma_start3A_7, %dma_start3A_8] : memref<100000x1024xf32, #tpu.memory_space<hbm>> -> memref<100000x1024xf32, #tpu.memory_space<hbm>>
    tpu.enqueue_indirect_dma source(%dma_start3A_9 : memref<100000x1024xf32, #tpu.memory_space<hbm>>) target(%dma_start3A_4 : memref<120x1024xf32, #tpu.memory_space<vmem>>) offsets(%dma_start3A_6 : memref<120xi32, #tpu.memory_space<vmem>>) semaphore(%arg9 : memref<!tpu.dma_semaphore, #tpu.memory_space<semaphore_mem>>)
    %dma_wait3A = arith.constant 0 : i32
    %dma_wait3A_10 = arith.constant 0 : i32
    %dma_wait3A_11 = tpu.memref_slice %arg8[%dma_wait3A, %dma_wait3A_10] : memref<120x1024xf32, #tpu.memory_space<vmem>> -> memref<120x1024xf32, #tpu.memory_space<vmem>>
    %dma_wait3A_12 = arith.constant 0 : i32
    %dma_wait3A_13 = tpu.memref_slice %arg7[%dma_wait3A_12] : memref<128xi32, #tpu.memory_space<vmem>> -> memref<120xi32, #tpu.memory_space<vmem>>
    %dma_wait3A_14 = arith.constant 0 : i32
    %dma_wait3A_15 = arith.constant 0 : i32
    %dma_wait3A_16 = tpu.memref_slice %arg3[%dma_wait3A_14, %dma_wait3A_15] : memref<100000x1024xf32, #tpu.memory_space<hbm>> -> memref<100000x1024xf32, #tpu.memory_space<hbm>>
    tpu.wait_indirect_dma semaphore(%arg9 : memref<!tpu.dma_semaphore, #tpu.memory_space<semaphore_mem>>) src(%dma_wait3A_16 : memref<100000x1024xf32, #tpu.memory_space<hbm>>) dst(%dma_wait3A_11 : memref<120x1024xf32, #tpu.memory_space<vmem>>)
    %add3A_17 = arith.constant 0 : i32
    %add3A_18 = arith.addi %mul3A_2, %add3A_17 : i32
    %dma_start3A_19 = arith.constant 0 : i32
    %dma_start3A_20 = arith.constant 0 : i32
    %dma_start3A_21 = arith.constant 0 : i32
    %dma_start3A_22 = tpu.memref_slice %arg8[%dma_start3A_20, %dma_start3A_21] : memref<120x1024xf32, #tpu.memory_space<vmem>> -> memref<120x1024xf32, #tpu.memory_space<vmem>>
    %dma_start3A_23 = arith.constant 0 : i32
    %dma_start3A_24 = tpu.memref_slice %arg6[%dma_start3A_19, %add3A_18, %dma_start3A_23] : memref<12x4096x1024xf32, #tpu.memory_space<hbm>> -> memref<1x120x1024xf32, #tpu.memory_space<hbm>>
    %dma_start3A_25 = tpu.memref_squeeze %dma_start3A_24 : memref<1x120x1024xf32, #tpu.memory_space<hbm>> -> memref<120x1024xf32, #tpu.memory_space<hbm>>
    %dma_start3A_26 = arith.constant 0 : i32
    %dma_start3A_27 = tpu.memref_slice %arg6[%dma_start3A_19, %add3A_18, %dma_start3A_26] : memref<12x4096x1024xf32, #tpu.memory_space<hbm>> -> memref<1x120x1024xf32, #tpu.memory_space<hbm>>
    %dma_start3A_28 = tpu.memref_squeeze %dma_start3A_27 : memref<1x120x1024xf32, #tpu.memory_space<hbm>> -> memref<120x1024xf32, #tpu.memory_space<hbm>>
    %dma_start3A_29 = arith.constant 0 : i32
    %dma_start3A_30 = arith.constant 0 : i32
    %dma_start3A_31 = tpu.memref_slice %arg8[%dma_start3A_29, %dma_start3A_30] : memref<120x1024xf32, #tpu.memory_space<vmem>> -> memref<120x1024xf32, #tpu.memory_space<vmem>>
    tpu.enqueue_dma source(%dma_start3A_31 : memref<120x1024xf32, #tpu.memory_space<vmem>>) target(%dma_start3A_28 : memref<120x1024xf32, #tpu.memory_space<hbm>>) target_semaphore(%arg10 : memref<!tpu.dma_semaphore, #tpu.memory_space<semaphore_mem>>)
    %add3A_32 = arith.constant 0 : i32
    %add3A_33 = arith.addi %mul3A_2, %add3A_32 : i32
    %dma_start3A_34 = arith.constant 3 : i32
    %dma_start3A_35 = arith.constant 0 : i32
    %dma_start3A_36 = arith.constant 0 : i32
    %dma_start3A_37 = tpu.memref_slice %arg8[%dma_start3A_35, %dma_start3A_36] : memref<120x1024xf32, #tpu.memory_space<vmem>> -> memref<120x1024xf32, #tpu.memory_space<vmem>>
    %dma_start3A_38 = arith.constant 0 : i32
    %dma_start3A_39 = tpu.memref_slice %arg6[%dma_start3A_34, %add3A_33, %dma_start3A_38] : memref<12x4096x1024xf32, #tpu.memory_space<hbm>> -> memref<1x120x1024xf32, #tpu.memory_space<hbm>>
    %dma_start3A_40 = tpu.memref_squeeze %dma_start3A_39 : memref<1x120x1024xf32, #tpu.memory_space<hbm>> -> memref<120x1024xf32, #tpu.memory_space<hbm>>
    %dma_start3A_41 = arith.constant 0 : i32
    %dma_start3A_42 = tpu.memref_slice %arg6[%dma_start3A_34, %add3A_33, %dma_start3A_41] : memref<12x4096x1024xf32, #tpu.memory_space<hbm>> -> memref<1x120x1024xf32, #tpu.memory_space<hbm>>
    %dma_start3A_43 = tpu.memref_squeeze %dma_start3A_42 : memref<1x120x1024xf32, #tpu.memory_space<hbm>> -> memref<120x1024xf32, #tpu.memory_space<hbm>>
    %dma_start3A_44 = arith.constant 0 : i32
    %dma_start3A_45 = arith.constant 0 : i32
    %dma_start3A_46 = tpu.memref_slice %arg8[%dma_start3A_44, %dma_start3A_45] : memref<120x1024xf32, #tpu.memory_space<vmem>> -> memref<120x1024xf32, #tpu.memory_space<vmem>>
    tpu.enqueue_dma source(%dma_start3A_46 : memref<120x1024xf32, #tpu.memory_space<vmem>>) target(%dma_start3A_43 : memref<120x1024xf32, #tpu.memory_space<hbm>>) target_semaphore(%arg10 : memref<!tpu.dma_semaphore, #tpu.memory_space<semaphore_mem>>)
    %add3A_47 = arith.constant 0 : i32
    %add3A_48 = arith.addi %mul3A_2, %add3A_47 : i32
    %dma_start3A_49 = arith.constant 6 : i32
    %dma_start3A_50 = arith.constant 0 : i32
    %dma_start3A_51 = arith.constant 0 : i32
    %dma_start3A_52 = tpu.memref_slice %arg8[%dma_start3A_50, %dma_start3A_51] : memref<120x1024xf32, #tpu.memory_space<vmem>> -> memref<120x1024xf32, #tpu.memory_space<vmem>>
    %dma_start3A_53 = arith.constant 0 : i32
    %dma_start3A_54 = tpu.memref_slice %arg6[%dma_start3A_49, %add3A_48, %dma_start3A_53] : memref<12x4096x1024xf32, #tpu.memory_space<hbm>> -> memref<1x120x1024xf32, #tpu.memory_space<hbm>>
    %dma_start3A_55 = tpu.memref_squeeze %dma_start3A_54 : memref<1x120x1024xf32, #tpu.memory_space<hbm>> -> memref<120x1024xf32, #tpu.memory_space<hbm>>
    %dma_start3A_56 = arith.constant 0 : i32
    %dma_start3A_57 = tpu.memref_slice %arg6[%dma_start3A_49, %add3A_48, %dma_start3A_56] : memref<12x4096x1024xf32, #tpu.memory_space<hbm>> -> memref<1x120x1024xf32, #tpu.memory_space<hbm>>
    %dma_start3A_58 = tpu.memref_squeeze %dma_start3A_57 : memref<1x120x1024xf32, #tpu.memory_space<hbm>> -> memref<120x1024xf32, #tpu.memory_space<hbm>>
    %dma_start3A_59 = arith.constant 0 : i32
    %dma_start3A_60 = arith.constant 0 : i32
    %dma_start3A_61 = tpu.memref_slice %arg8[%dma_start3A_59, %dma_start3A_60] : memref<120x1024xf32, #tpu.memory_space<vmem>> -> memref<120x1024xf32, #tpu.memory_space<vmem>>
    tpu.enqueue_dma source(%dma_start3A_61 : memref<120x1024xf32, #tpu.memory_space<vmem>>) target(%dma_start3A_58 : memref<120x1024xf32, #tpu.memory_space<hbm>>) target_semaphore(%arg10 : memref<!tpu.dma_semaphore, #tpu.memory_space<semaphore_mem>>)
    %add3A_62 = arith.constant 0 : i32
    %add3A_63 = arith.addi %mul3A_2, %add3A_62 : i32
    %dma_start3A_64 = arith.constant 9 : i32
    %dma_start3A_65 = arith.constant 0 : i32
    %dma_start3A_66 = arith.constant 0 : i32
    %dma_start3A_67 = tpu.memref_slice %arg8[%dma_start3A_65, %dma_start3A_66] : memref<120x1024xf32, #tpu.memory_space<vmem>> -> memref<120x1024xf32, #tpu.memory_space<vmem>>
    %dma_start3A_68 = arith.constant 0 : i32
    %dma_start3A_69 = tpu.memref_slice %arg6[%dma_start3A_64, %add3A_63, %dma_start3A_68] : memref<12x4096x1024xf32, #tpu.memory_space<hbm>> -> memref<1x120x1024xf32, #tpu.memory_space<hbm>>
    %dma_start3A_70 = tpu.memref_squeeze %dma_start3A_69 : memref<1x120x1024xf32, #tpu.memory_space<hbm>> -> memref<120x1024xf32, #tpu.memory_space<hbm>>
    %dma_start3A_71 = arith.constant 0 : i32
    %dma_start3A_72 = tpu.memref_slice %arg6[%dma_start3A_64, %add3A_63, %dma_start3A_71] : memref<12x4096x1024xf32, #tpu.memory_space<hbm>> -> memref<1x120x1024xf32, #tpu.memory_space<hbm>>
    %dma_start3A_73 = tpu.memref_squeeze %dma_start3A_72 : memref<1x120x1024xf32, #tpu.memory_space<hbm>> -> memref<120x1024xf32, #tpu.memory_space<hbm>>
    %dma_start3A_74 = arith.constant 0 : i32
    %dma_start3A_75 = arith.constant 0 : i32
    %dma_start3A_76 = tpu.memref_slice %arg8[%dma_start3A_74, %dma_start3A_75] : memref<120x1024xf32, #tpu.memory_space<vmem>> -> memref<120x1024xf32, #tpu.memory_space<vmem>>
    tpu.enqueue_dma source(%dma_start3A_76 : memref<120x1024xf32, #tpu.memory_space<vmem>>) target(%dma_start3A_73 : memref<120x1024xf32, #tpu.memory_space<hbm>>) target_semaphore(%arg10 : memref<!tpu.dma_semaphore, #tpu.memory_space<semaphore_mem>>)
    %dma_wait3A_77 = arith.constant 0 : i32
    %dma_wait3A_78 = arith.constant 0 : i32
    %dma_wait3A_79 = arith.constant 0 : i32
    %dma_wait3A_80 = tpu.memref_slice %arg8[%dma_wait3A_78, %dma_wait3A_79] : memref<120x1024xf32, #tpu.memory_space<vmem>> -> memref<120x1024xf32, #tpu.memory_space<vmem>>
    %dma_wait3A_81 = arith.constant 0 : i32
    %dma_wait3A_82 = tpu.memref_slice %arg6[%dma_wait3A_77, %add3A_18, %dma_wait3A_81] : memref<12x4096x1024xf32, #tpu.memory_space<hbm>> -> memref<1x120x1024xf32, #tpu.memory_space<hbm>>
    %dma_wait3A_83 = tpu.memref_squeeze %dma_wait3A_82 : memref<1x120x1024xf32, #tpu.memory_space<hbm>> -> memref<120x1024xf32, #tpu.memory_space<hbm>>
    %dma_wait3A_84 = arith.constant 0 : i32
    %dma_wait3A_85 = tpu.memref_slice %arg6[%dma_wait3A_77, %add3A_18, %dma_wait3A_84] : memref<12x4096x1024xf32, #tpu.memory_space<hbm>> -> memref<1x120x1024xf32, #tpu.memory_space<hbm>>
    %dma_wait3A_86 = tpu.memref_squeeze %dma_wait3A_85 : memref<1x120x1024xf32, #tpu.memory_space<hbm>> -> memref<120x1024xf32, #tpu.memory_space<hbm>>
    %dma_wait3A_87 = arith.constant 0 : i32
    %dma_wait3A_88 = arith.constant 0 : i32
    %dma_wait3A_89 = tpu.memref_slice %arg8[%dma_wait3A_87, %dma_wait3A_88] : memref<120x1024xf32, #tpu.memory_space<vmem>> -> memref<120x1024xf32, #tpu.memory_space<vmem>>
    tpu.wait_dma2 semaphore(%arg10 : memref<!tpu.dma_semaphore, #tpu.memory_space<semaphore_mem>>) src(%dma_wait3A_89 : memref<120x1024xf32, #tpu.memory_space<vmem>>) dst(%dma_wait3A_86 : memref<120x1024xf32, #tpu.memory_space<hbm>>)
    %dma_wait3A_90 = arith.constant 3 : i32
    %dma_wait3A_91 = arith.constant 0 : i32
    %dma_wait3A_92 = arith.constant 0 : i32
    %dma_wait3A_93 = tpu.memref_slice %arg8[%dma_wait3A_91, %dma_wait3A_92] : memref<120x1024xf32, #tpu.memory_space<vmem>> -> memref<120x1024xf32, #tpu.memory_space<vmem>>
    %dma_wait3A_94 = arith.constant 0 : i32
    %dma_wait3A_95 = tpu.memref_slice %arg6[%dma_wait3A_90, %add3A_33, %dma_wait3A_94] : memref<12x4096x1024xf32, #tpu.memory_space<hbm>> -> memref<1x120x1024xf32, #tpu.memory_space<hbm>>
    %dma_wait3A_96 = tpu.memref_squeeze %dma_wait3A_95 : memref<1x120x1024xf32, #tpu.memory_space<hbm>> -> memref<120x1024xf32, #tpu.memory_space<hbm>>
    %dma_wait3A_97 = arith.constant 0 : i32
    %dma_wait3A_98 = tpu.memref_slice %arg6[%dma_wait3A_90, %add3A_33, %dma_wait3A_97] : memref<12x4096x1024xf32, #tpu.memory_space<hbm>> -> memref<1x120x1024xf32, #tpu.memory_space<hbm>>
    %dma_wait3A_99 = tpu.memref_squeeze %dma_wait3A_98 : memref<1x120x1024xf32, #tpu.memory_space<hbm>> -> memref<120x1024xf32, #tpu.memory_space<hbm>>
    %dma_wait3A_100 = arith.constant 0 : i32
    %dma_wait3A_101 = arith.constant 0 : i32
    %dma_wait3A_102 = tpu.memref_slice %arg8[%dma_wait3A_100, %dma_wait3A_101] : memref<120x1024xf32, #tpu.memory_space<vmem>> -> memref<120x1024xf32, #tpu.memory_space<vmem>>
    tpu.wait_dma2 semaphore(%arg10 : memref<!tpu.dma_semaphore, #tpu.memory_space<semaphore_mem>>) src(%dma_wait3A_102 : memref<120x1024xf32, #tpu.memory_space<vmem>>) dst(%dma_wait3A_99 : memref<120x1024xf32, #tpu.memory_space<hbm>>)
    %dma_wait3A_103 = arith.constant 6 : i32
    %dma_wait3A_104 = arith.constant 0 : i32
    %dma_wait3A_105 = arith.constant 0 : i32
    %dma_wait3A_106 = tpu.memref_slice %arg8[%dma_wait3A_104, %dma_wait3A_105] : memref<120x1024xf32, #tpu.memory_space<vmem>> -> memref<120x1024xf32, #tpu.memory_space<vmem>>
    %dma_wait3A_107 = arith.constant 0 : i32
    %dma_wait3A_108 = tpu.memref_slice %arg6[%dma_wait3A_103, %add3A_48, %dma_wait3A_107] : memref<12x4096x1024xf32, #tpu.memory_space<hbm>> -> memref<1x120x1024xf32, #tpu.memory_space<hbm>>
    %dma_wait3A_109 = tpu.memref_squeeze %dma_wait3A_108 : memref<1x120x1024xf32, #tpu.memory_space<hbm>> -> memref<120x1024xf32, #tpu.memory_space<hbm>>
    %dma_wait3A_110 = arith.constant 0 : i32
    %dma_wait3A_111 = tpu.memref_slice %arg6[%dma_wait3A_103, %add3A_48, %dma_wait3A_110] : memref<12x4096x1024xf32, #tpu.memory_space<hbm>> -> memref<1x120x1024xf32, #tpu.memory_space<hbm>>
    %dma_wait3A_112 = tpu.memref_squeeze %dma_wait3A_111 : memref<1x120x1024xf32, #tpu.memory_space<hbm>> -> memref<120x1024xf32, #tpu.memory_space<hbm>>
    %dma_wait3A_113 = arith.constant 0 : i32
    %dma_wait3A_114 = arith.constant 0 : i32
    %dma_wait3A_115 = tpu.memref_slice %arg8[%dma_wait3A_113, %dma_wait3A_114] : memref<120x1024xf32, #tpu.memory_space<vmem>> -> memref<120x1024xf32, #tpu.memory_space<vmem>>
    tpu.wait_dma2 semaphore(%arg10 : memref<!tpu.dma_semaphore, #tpu.memory_space<semaphore_mem>>) src(%dma_wait3A_115 : memref<120x1024xf32, #tpu.memory_space<vmem>>) dst(%dma_wait3A_112 : memref<120x1024xf32, #tpu.memory_space<hbm>>)
    %dma_wait3A_116 = arith.constant 9 : i32
    %dma_wait3A_117 = arith.constant 0 : i32
    %dma_wait3A_118 = arith.constant 0 : i32
    %dma_wait3A_119 = tpu.memref_slice %arg8[%dma_wait3A_117, %dma_wait3A_118] : memref<120x1024xf32, #tpu.memory_space<vmem>> -> memref<120x1024xf32, #tpu.memory_space<vmem>>
    %dma_wait3A_120 = arith.constant 0 : i32
    %dma_wait3A_121 = tpu.memref_slice %arg6[%dma_wait3A_116, %add3A_63, %dma_wait3A_120] : memref<12x4096x1024xf32, #tpu.memory_space<hbm>> -> memref<1x120x1024xf32, #tpu.memory_space<hbm>>
    %dma_wait3A_122 = tpu.memref_squeeze %dma_wait3A_121 : memref<1x120x1024xf32, #tpu.memory_space<hbm>> -> memref<120x1024xf32, #tpu.memory_space<hbm>>
    %dma_wait3A_123 = arith.constant 0 : i32
    %dma_wait3A_124 = tpu.memref_slice %arg6[%dma_wait3A_116, %add3A_63, %dma_wait3A_123] : memref<12x4096x1024xf32, #tpu.memory_space<hbm>> -> memref<1x120x1024xf32, #tpu.memory_space<hbm>>
    %dma_wait3A_125 = tpu.memref_squeeze %dma_wait3A_124 : memref<1x120x1024xf32, #tpu.memory_space<hbm>> -> memref<120x1024xf32, #tpu.memory_space<hbm>>
    %dma_wait3A_126 = arith.constant 0 : i32
    %dma_wait3A_127 = arith.constant 0 : i32
    %dma_wait3A_128 = tpu.memref_slice %arg8[%dma_wait3A_126, %dma_wait3A_127] : memref<120x1024xf32, #tpu.memory_space<vmem>> -> memref<120x1024xf32, #tpu.memory_space<vmem>>
    tpu.wait_dma2 semaphore(%arg10 : memref<!tpu.dma_semaphore, #tpu.memory_space<semaphore_mem>>) src(%dma_wait3A_128 : memref<120x1024xf32, #tpu.memory_space<vmem>>) dst(%dma_wait3A_125 : memref<120x1024xf32, #tpu.memory_space<hbm>>)
    %dma_start3A_129 = arith.constant 0 : i32
    %dma_start3A_130 = arith.constant 0 : i32
    %dma_start3A_131 = tpu.memref_slice %arg8[%dma_start3A_129, %dma_start3A_130] : memref<120x1024xf32, #tpu.memory_space<vmem>> -> memref<8x1024xf32, #tpu.memory_space<vmem>>
    %dma_start3A_132 = arith.constant 120 : i32
    %dma_start3A_133 = tpu.memref_slice %arg7[%dma_start3A_132] : memref<128xi32, #tpu.memory_space<vmem>> -> memref<8xi32, #tpu.memory_space<vmem>>
    %dma_start3A_134 = arith.constant 0 : i32
    %dma_start3A_135 = arith.constant 0 : i32
    %dma_start3A_136 = tpu.memref_slice %arg3[%dma_start3A_134, %dma_start3A_135] : memref<100000x1024xf32, #tpu.memory_space<hbm>> -> memref<100000x1024xf32, #tpu.memory_space<hbm>>
    tpu.enqueue_indirect_dma source(%dma_start3A_136 : memref<100000x1024xf32, #tpu.memory_space<hbm>>) target(%dma_start3A_131 : memref<8x1024xf32, #tpu.memory_space<vmem>>) offsets(%dma_start3A_133 : memref<8xi32, #tpu.memory_space<vmem>>) semaphore(%arg9 : memref<!tpu.dma_semaphore, #tpu.memory_space<semaphore_mem>>)
    %dma_wait3A_137 = arith.constant 0 : i32
    %dma_wait3A_138 = arith.constant 0 : i32
    %dma_wait3A_139 = tpu.memref_slice %arg8[%dma_wait3A_137, %dma_wait3A_138] : memref<120x1024xf32, #tpu.memory_space<vmem>> -> memref<8x1024xf32, #tpu.memory_space<vmem>>
    %dma_wait3A_140 = arith.constant 120 : i32
    %dma_wait3A_141 = tpu.memref_slice %arg7[%dma_wait3A_140] : memref<128xi32, #tpu.memory_space<vmem>> -> memref<8xi32, #tpu.memory_space<vmem>>
    %dma_wait3A_142 = arith.constant 0 : i32
    %dma_wait3A_143 = arith.constant 0 : i32
    %dma_wait3A_144 = tpu.memref_slice %arg3[%dma_wait3A_142, %dma_wait3A_143] : memref<100000x1024xf32, #tpu.memory_space<hbm>> -> memref<100000x1024xf32, #tpu.memory_space<hbm>>
    tpu.wait_indirect_dma semaphore(%arg9 : memref<!tpu.dma_semaphore, #tpu.memory_space<semaphore_mem>>) src(%dma_wait3A_144 : memref<100000x1024xf32, #tpu.memory_space<hbm>>) dst(%dma_wait3A_139 : memref<8x1024xf32, #tpu.memory_space<vmem>>)
    %add3A_145 = arith.constant 120 : i32
    %add3A_146 = arith.addi %mul3A_2, %add3A_145 : i32
    %dma_start3A_147 = arith.constant 0 : i32
    %dma_start3A_148 = arith.constant 0 : i32
    %dma_start3A_149 = arith.constant 0 : i32
    %dma_start3A_150 = tpu.memref_slice %arg8[%dma_start3A_148, %dma_start3A_149] : memref<120x1024xf32, #tpu.memory_space<vmem>> -> memref<8x1024xf32, #tpu.memory_space<vmem>>
    %dma_start3A_151 = arith.constant 0 : i32
    %dma_start3A_152 = tpu.memref_slice %arg6[%dma_start3A_147, %add3A_146, %dma_start3A_151] : memref<12x4096x1024xf32, #tpu.memory_space<hbm>> -> memref<1x8x1024xf32, #tpu.memory_space<hbm>>
    %dma_start3A_153 = tpu.memref_squeeze %dma_start3A_152 : memref<1x8x1024xf32, #tpu.memory_space<hbm>> -> memref<8x1024xf32, #tpu.memory_space<hbm>>
    %dma_start3A_154 = arith.constant 0 : i32
    %dma_start3A_155 = tpu.memref_slice %arg6[%dma_start3A_147, %add3A_146, %dma_start3A_154] : memref<12x4096x1024xf32, #tpu.memory_space<hbm>> -> memref<1x8x1024xf32, #tpu.memory_space<hbm>>
    %dma_start3A_156 = tpu.memref_squeeze %dma_start3A_155 : memref<1x8x1024xf32, #tpu.memory_space<hbm>> -> memref<8x1024xf32, #tpu.memory_space<hbm>>
    %dma_start3A_157 = arith.constant 0 : i32
    %dma_start3A_158 = arith.constant 0 : i32
    %dma_start3A_159 = tpu.memref_slice %arg8[%dma_start3A_157, %dma_start3A_158] : memref<120x1024xf32, #tpu.memory_space<vmem>> -> memref<8x1024xf32, #tpu.memory_space<vmem>>
    tpu.enqueue_dma source(%dma_start3A_159 : memref<8x1024xf32, #tpu.memory_space<vmem>>) target(%dma_start3A_156 : memref<8x1024xf32, #tpu.memory_space<hbm>>) target_semaphore(%arg10 : memref<!tpu.dma_semaphore, #tpu.memory_space<semaphore_mem>>)
    %add3A_160 = arith.constant 120 : i32
    %add3A_161 = arith.addi %mul3A_2, %add3A_160 : i32
    %dma_start3A_162 = arith.constant 3 : i32
    %dma_start3A_163 = arith.constant 0 : i32
    %dma_start3A_164 = arith.constant 0 : i32
    %dma_start3A_165 = tpu.memref_slice %arg8[%dma_start3A_163, %dma_start3A_164] : memref<120x1024xf32, #tpu.memory_space<vmem>> -> memref<8x1024xf32, #tpu.memory_space<vmem>>
    %dma_start3A_166 = arith.constant 0 : i32
    %dma_start3A_167 = tpu.memref_slice %arg6[%dma_start3A_162, %add3A_161, %dma_start3A_166] : memref<12x4096x1024xf32, #tpu.memory_space<hbm>> -> memref<1x8x1024xf32, #tpu.memory_space<hbm>>
    %dma_start3A_168 = tpu.memref_squeeze %dma_start3A_167 : memref<1x8x1024xf32, #tpu.memory_space<hbm>> -> memref<8x1024xf32, #tpu.memory_space<hbm>>
    %dma_start3A_169 = arith.constant 0 : i32
    %dma_start3A_170 = tpu.memref_slice %arg6[%dma_start3A_162, %add3A_161, %dma_start3A_169] : memref<12x4096x1024xf32, #tpu.memory_space<hbm>> -> memref<1x8x1024xf32, #tpu.memory_space<hbm>>
    %dma_start3A_171 = tpu.memref_squeeze %dma_start3A_170 : memref<1x8x1024xf32, #tpu.memory_space<hbm>> -> memref<8x1024xf32, #tpu.memory_space<hbm>>
    %dma_start3A_172 = arith.constant 0 : i32
    %dma_start3A_173 = arith.constant 0 : i32
    %dma_start3A_174 = tpu.memref_slice %arg8[%dma_start3A_172, %dma_start3A_173] : memref<120x1024xf32, #tpu.memory_space<vmem>> -> memref<8x1024xf32, #tpu.memory_space<vmem>>
    tpu.enqueue_dma source(%dma_start3A_174 : memref<8x1024xf32, #tpu.memory_space<vmem>>) target(%dma_start3A_171 : memref<8x1024xf32, #tpu.memory_space<hbm>>) target_semaphore(%arg10 : memref<!tpu.dma_semaphore, #tpu.memory_space<semaphore_mem>>)
    %add3A_175 = arith.constant 120 : i32
    %add3A_176 = arith.addi %mul3A_2, %add3A_175 : i32
    %dma_start3A_177 = arith.constant 6 : i32
    %dma_start3A_178 = arith.constant 0 : i32
    %dma_start3A_179 = arith.constant 0 : i32
    %dma_start3A_180 = tpu.memref_slice %arg8[%dma_start3A_178, %dma_start3A_179] : memref<120x1024xf32, #tpu.memory_space<vmem>> -> memref<8x1024xf32, #tpu.memory_space<vmem>>
    %dma_start3A_181 = arith.constant 0 : i32
    %dma_start3A_182 = tpu.memref_slice %arg6[%dma_start3A_177, %add3A_176, %dma_start3A_181] : memref<12x4096x1024xf32, #tpu.memory_space<hbm>> -> memref<1x8x1024xf32, #tpu.memory_space<hbm>>
    %dma_start3A_183 = tpu.memref_squeeze %dma_start3A_182 : memref<1x8x1024xf32, #tpu.memory_space<hbm>> -> memref<8x1024xf32, #tpu.memory_space<hbm>>
    %dma_start3A_184 = arith.constant 0 : i32
    %dma_start3A_185 = tpu.memref_slice %arg6[%dma_start3A_177, %add3A_176, %dma_start3A_184] : memref<12x4096x1024xf32, #tpu.memory_space<hbm>> -> memref<1x8x1024xf32, #tpu.memory_space<hbm>>
    %dma_start3A_186 = tpu.memref_squeeze %dma_start3A_185 : memref<1x8x1024xf32, #tpu.memory_space<hbm>> -> memref<8x1024xf32, #tpu.memory_space<hbm>>
    %dma_start3A_187 = arith.constant 0 : i32
    %dma_start3A_188 = arith.constant 0 : i32
    %dma_start3A_189 = tpu.memref_slice %arg8[%dma_start3A_187, %dma_start3A_188] : memref<120x1024xf32, #tpu.memory_space<vmem>> -> memref<8x1024xf32, #tpu.memory_space<vmem>>
    tpu.enqueue_dma source(%dma_start3A_189 : memref<8x1024xf32, #tpu.memory_space<vmem>>) target(%dma_start3A_186 : memref<8x1024xf32, #tpu.memory_space<hbm>>) target_semaphore(%arg10 : memref<!tpu.dma_semaphore, #tpu.memory_space<semaphore_mem>>)
    %add3A_190 = arith.constant 120 : i32
    %add3A_191 = arith.addi %mul3A_2, %add3A_190 : i32
    %dma_start3A_192 = arith.constant 9 : i32
    %dma_start3A_193 = arith.constant 0 : i32
    %dma_start3A_194 = arith.constant 0 : i32
    %dma_start3A_195 = tpu.memref_slice %arg8[%dma_start3A_193, %dma_start3A_194] : memref<120x1024xf32, #tpu.memory_space<vmem>> -> memref<8x1024xf32, #tpu.memory_space<vmem>>
    %dma_start3A_196 = arith.constant 0 : i32
    %dma_start3A_197 = tpu.memref_slice %arg6[%dma_start3A_192, %add3A_191, %dma_start3A_196] : memref<12x4096x1024xf32, #tpu.memory_space<hbm>> -> memref<1x8x1024xf32, #tpu.memory_space<hbm>>
    %dma_start3A_198 = tpu.memref_squeeze %dma_start3A_197 : memref<1x8x1024xf32, #tpu.memory_space<hbm>> -> memref<8x1024xf32, #tpu.memory_space<hbm>>
    %dma_start3A_199 = arith.constant 0 : i32
    %dma_start3A_200 = tpu.memref_slice %arg6[%dma_start3A_192, %add3A_191, %dma_start3A_199] : memref<12x4096x1024xf32, #tpu.memory_space<hbm>> -> memref<1x8x1024xf32, #tpu.memory_space<hbm>>
    %dma_start3A_201 = tpu.memref_squeeze %dma_start3A_200 : memref<1x8x1024xf32, #tpu.memory_space<hbm>> -> memref<8x1024xf32, #tpu.memory_space<hbm>>
    %dma_start3A_202 = arith.constant 0 : i32
    %dma_start3A_203 = arith.constant 0 : i32
    %dma_start3A_204 = tpu.memref_slice %arg8[%dma_start3A_202, %dma_start3A_203] : memref<120x1024xf32, #tpu.memory_space<vmem>> -> memref<8x1024xf32, #tpu.memory_space<vmem>>
    tpu.enqueue_dma source(%dma_start3A_204 : memref<8x1024xf32, #tpu.memory_space<vmem>>) target(%dma_start3A_201 : memref<8x1024xf32, #tpu.memory_space<hbm>>) target_semaphore(%arg10 : memref<!tpu.dma_semaphore, #tpu.memory_space<semaphore_mem>>)
    %dma_wait3A_205 = arith.constant 0 : i32
    %dma_wait3A_206 = arith.constant 0 : i32
    %dma_wait3A_207 = arith.constant 0 : i32
    %dma_wait3A_208 = tpu.memref_slice %arg8[%dma_wait3A_206, %dma_wait3A_207] : memref<120x1024xf32, #tpu.memory_space<vmem>> -> memref<8x1024xf32, #tpu.memory_space<vmem>>
    %dma_wait3A_209 = arith.constant 0 : i32
    %dma_wait3A_210 = tpu.memref_slice %arg6[%dma_wait3A_205, %add3A_146, %dma_wait3A_209] : memref<12x4096x1024xf32, #tpu.memory_space<hbm>> -> memref<1x8x1024xf32, #tpu.memory_space<hbm>>
    %dma_wait3A_211 = tpu.memref_squeeze %dma_wait3A_210 : memref<1x8x1024xf32, #tpu.memory_space<hbm>> -> memref<8x1024xf32, #tpu.memory_space<hbm>>
    %dma_wait3A_212 = arith.constant 0 : i32
    %dma_wait3A_213 = tpu.memref_slice %arg6[%dma_wait3A_205, %add3A_146, %dma_wait3A_212] : memref<12x4096x1024xf32, #tpu.memory_space<hbm>> -> memref<1x8x1024xf32, #tpu.memory_space<hbm>>
    %dma_wait3A_214 = tpu.memref_squeeze %dma_wait3A_213 : memref<1x8x1024xf32, #tpu.memory_space<hbm>> -> memref<8x1024xf32, #tpu.memory_space<hbm>>
    %dma_wait3A_215 = arith.constant 0 : i32
    %dma_wait3A_216 = arith.constant 0 : i32
    %dma_wait3A_217 = tpu.memref_slice %arg8[%dma_wait3A_215, %dma_wait3A_216] : memref<120x1024xf32, #tpu.memory_space<vmem>> -> memref<8x1024xf32, #tpu.memory_space<vmem>>
    tpu.wait_dma2 semaphore(%arg10 : memref<!tpu.dma_semaphore, #tpu.memory_space<semaphore_mem>>) src(%dma_wait3A_217 : memref<8x1024xf32, #tpu.memory_space<vmem>>) dst(%dma_wait3A_214 : memref<8x1024xf32, #tpu.memory_space<hbm>>)
    %dma_wait3A_218 = arith.constant 3 : i32
    %dma_wait3A_219 = arith.constant 0 : i32
    %dma_wait3A_220 = arith.constant 0 : i32
    %dma_wait3A_221 = tpu.memref_slice %arg8[%dma_wait3A_219, %dma_wait3A_220] : memref<120x1024xf32, #tpu.memory_space<vmem>> -> memref<8x1024xf32, #tpu.memory_space<vmem>>
    %dma_wait3A_222 = arith.constant 0 : i32
    %dma_wait3A_223 = tpu.memref_slice %arg6[%dma_wait3A_218, %add3A_161, %dma_wait3A_222] : memref<12x4096x1024xf32, #tpu.memory_space<hbm>> -> memref<1x8x1024xf32, #tpu.memory_space<hbm>>
    %dma_wait3A_224 = tpu.memref_squeeze %dma_wait3A_223 : memref<1x8x1024xf32, #tpu.memory_space<hbm>> -> memref<8x1024xf32, #tpu.memory_space<hbm>>
    %dma_wait3A_225 = arith.constant 0 : i32
    %dma_wait3A_226 = tpu.memref_slice %arg6[%dma_wait3A_218, %add3A_161, %dma_wait3A_225] : memref<12x4096x1024xf32, #tpu.memory_space<hbm>> -> memref<1x8x1024xf32, #tpu.memory_space<hbm>>
    %dma_wait3A_227 = tpu.memref_squeeze %dma_wait3A_226 : memref<1x8x1024xf32, #tpu.memory_space<hbm>> -> memref<8x1024xf32, #tpu.memory_space<hbm>>
    %dma_wait3A_228 = arith.constant 0 : i32
    %dma_wait3A_229 = arith.constant 0 : i32
    %dma_wait3A_230 = tpu.memref_slice %arg8[%dma_wait3A_228, %dma_wait3A_229] : memref<120x1024xf32, #tpu.memory_space<vmem>> -> memref<8x1024xf32, #tpu.memory_space<vmem>>
    tpu.wait_dma2 semaphore(%arg10 : memref<!tpu.dma_semaphore, #tpu.memory_space<semaphore_mem>>) src(%dma_wait3A_230 : memref<8x1024xf32, #tpu.memory_space<vmem>>) dst(%dma_wait3A_227 : memref<8x1024xf32, #tpu.memory_space<hbm>>)
    %dma_wait3A_231 = arith.constant 6 : i32
    %dma_wait3A_232 = arith.constant 0 : i32
    %dma_wait3A_233 = arith.constant 0 : i32
    %dma_wait3A_234 = tpu.memref_slice %arg8[%dma_wait3A_232, %dma_wait3A_233] : memref<120x1024xf32, #tpu.memory_space<vmem>> -> memref<8x1024xf32, #tpu.memory_space<vmem>>
    %dma_wait3A_235 = arith.constant 0 : i32
    %dma_wait3A_236 = tpu.memref_slice %arg6[%dma_wait3A_231, %add3A_176, %dma_wait3A_235] : memref<12x4096x1024xf32, #tpu.memory_space<hbm>> -> memref<1x8x1024xf32, #tpu.memory_space<hbm>>
    %dma_wait3A_237 = tpu.memref_squeeze %dma_wait3A_236 : memref<1x8x1024xf32, #tpu.memory_space<hbm>> -> memref<8x1024xf32, #tpu.memory_space<hbm>>
    %dma_wait3A_238 = arith.constant 0 : i32
    %dma_wait3A_239 = tpu.memref_slice %arg6[%dma_wait3A_231, %add3A_176, %dma_wait3A_238] : memref<12x4096x1024xf32, #tpu.memory_space<hbm>> -> memref<1x8x1024xf32, #tpu.memory_space<hbm>>
    %dma_wait3A_240 = tpu.memref_squeeze %dma_wait3A_239 : memref<1x8x1024xf32, #tpu.memory_space<hbm>> -> memref<8x1024xf32, #tpu.memory_space<hbm>>
    %dma_wait3A_241 = arith.constant 0 : i32
    %dma_wait3A_242 = arith.constant 0 : i32
    %dma_wait3A_243 = tpu.memref_slice %arg8[%dma_wait3A_241, %dma_wait3A_242] : memref<120x1024xf32, #tpu.memory_space<vmem>> -> memref<8x1024xf32, #tpu.memory_space<vmem>>
    tpu.wait_dma2 semaphore(%arg10 : memref<!tpu.dma_semaphore, #tpu.memory_space<semaphore_mem>>) src(%dma_wait3A_243 : memref<8x1024xf32, #tpu.memory_space<vmem>>) dst(%dma_wait3A_240 : memref<8x1024xf32, #tpu.memory_space<hbm>>)
    %dma_wait3A_244 = arith.constant 9 : i32
    %dma_wait3A_245 = arith.constant 0 : i32
    %dma_wait3A_246 = arith.constant 0 : i32
    %dma_wait3A_247 = tpu.memref_slice %arg8[%dma_wait3A_245, %dma_wait3A_246] : memref<120x1024xf32, #tpu.memory_space<vmem>> -> memref<8x1024xf32, #tpu.memory_space<vmem>>
    %dma_wait3A_248 = arith.constant 0 : i32
    %dma_wait3A_249 = tpu.memref_slice %arg6[%dma_wait3A_244, %add3A_191, %dma_wait3A_248] : memref<12x4096x1024xf32, #tpu.memory_space<hbm>> -> memref<1x8x1024xf32, #tpu.memory_space<hbm>>
    %dma_wait3A_250 = tpu.memref_squeeze %dma_wait3A_249 : memref<1x8x1024xf32, #tpu.memory_space<hbm>> -> memref<8x1024xf32, #tpu.memory_space<hbm>>
    %dma_wait3A_251 = arith.constant 0 : i32
    %dma_wait3A_252 = tpu.memref_slice %arg6[%dma_wait3A_244, %add3A_191, %dma_wait3A_251] : memref<12x4096x1024xf32, #tpu.memory_space<hbm>> -> memref<1x8x1024xf32, #tpu.memory_space<hbm>>
    %dma_wait3A_253 = tpu.memref_squeeze %dma_wait3A_252 : memref<1x8x1024xf32, #tpu.memory_space<hbm>> -> memref<8x1024xf32, #tpu.memory_space<hbm>>
    %dma_wait3A_254 = arith.constant 0 : i32
    %dma_wait3A_255 = arith.constant 0 : i32
    %dma_wait3A_256 = tpu.memref_slice %arg8[%dma_wait3A_254, %dma_wait3A_255] : memref<120x1024xf32, #tpu.memory_space<vmem>> -> memref<8x1024xf32, #tpu.memory_space<vmem>>
    tpu.wait_dma2 semaphore(%arg10 : memref<!tpu.dma_semaphore, #tpu.memory_space<semaphore_mem>>) src(%dma_wait3A_256 : memref<8x1024xf32, #tpu.memory_space<vmem>>) dst(%dma_wait3A_253 : memref<8x1024xf32, #tpu.memory_space<hbm>>)
    %dma_start3A_257 = arith.constant 0 : i32
    %dma_start3A_258 = arith.constant 0 : i32
    %dma_start3A_259 = tpu.memref_slice %arg8[%dma_start3A_257, %dma_start3A_258] : memref<120x1024xf32, #tpu.memory_space<vmem>> -> memref<120x1024xf32, #tpu.memory_space<vmem>>
    %dma_start3A_260 = arith.constant 0 : i32
    %dma_start3A_261 = tpu.memref_slice %arg7[%dma_start3A_260] : memref<128xi32, #tpu.memory_space<vmem>> -> memref<120xi32, #tpu.memory_space<vmem>>
    %dma_start3A_262 = arith.constant 0 : i32
    %dma_start3A_263 = arith.constant 0 : i32
    %dma_start3A_264 = tpu.memref_slice %arg4[%dma_start3A_262, %dma_start3A_263] : memref<100000x1024xf32, #tpu.memory_space<hbm>> -> memref<100000x1024xf32, #tpu.memory_space<hbm>>
    tpu.enqueue_indirect_dma source(%dma_start3A_264 : memref<100000x1024xf32, #tpu.memory_space<hbm>>) target(%dma_start3A_259 : memref<120x1024xf32, #tpu.memory_space<vmem>>) offsets(%dma_start3A_261 : memref<120xi32, #tpu.memory_space<vmem>>) semaphore(%arg9 : memref<!tpu.dma_semaphore, #tpu.memory_space<semaphore_mem>>)
    %dma_wait3A_265 = arith.constant 0 : i32
    %dma_wait3A_266 = arith.constant 0 : i32
    %dma_wait3A_267 = tpu.memref_slice %arg8[%dma_wait3A_265, %dma_wait3A_266] : memref<120x1024xf32, #tpu.memory_space<vmem>> -> memref<120x1024xf32, #tpu.memory_space<vmem>>
    %dma_wait3A_268 = arith.constant 0 : i32
    %dma_wait3A_269 = tpu.memref_slice %arg7[%dma_wait3A_268] : memref<128xi32, #tpu.memory_space<vmem>> -> memref<120xi32, #tpu.memory_space<vmem>>
    %dma_wait3A_270 = arith.constant 0 : i32
    %dma_wait3A_271 = arith.constant 0 : i32
    %dma_wait3A_272 = tpu.memref_slice %arg4[%dma_wait3A_270, %dma_wait3A_271] : memref<100000x1024xf32, #tpu.memory_space<hbm>> -> memref<100000x1024xf32, #tpu.memory_space<hbm>>
    tpu.wait_indirect_dma semaphore(%arg9 : memref<!tpu.dma_semaphore, #tpu.memory_space<semaphore_mem>>) src(%dma_wait3A_272 : memref<100000x1024xf32, #tpu.memory_space<hbm>>) dst(%dma_wait3A_267 : memref<120x1024xf32, #tpu.memory_space<vmem>>)
    %add3A_273 = arith.constant 0 : i32
    %add3A_274 = arith.addi %mul3A_2, %add3A_273 : i32
    %dma_start3A_275 = arith.constant 1 : i32
    %dma_start3A_276 = arith.constant 0 : i32
    %dma_start3A_277 = arith.constant 0 : i32
    %dma_start3A_278 = tpu.memref_slice %arg8[%dma_start3A_276, %dma_start3A_277] : memref<120x1024xf32, #tpu.memory_space<vmem>> -> memref<120x1024xf32, #tpu.memory_space<vmem>>
    %dma_start3A_279 = arith.constant 0 : i32
    %dma_start3A_280 = tpu.memref_slice %arg6[%dma_start3A_275, %add3A_274, %dma_start3A_279] : memref<12x4096x1024xf32, #tpu.memory_space<hbm>> -> memref<1x120x1024xf32, #tpu.memory_space<hbm>>
    %dma_start3A_281 = tpu.memref_squeeze %dma_start3A_280 : memref<1x120x1024xf32, #tpu.memory_space<hbm>> -> memref<120x1024xf32, #tpu.memory_space<hbm>>
    %dma_start3A_282 = arith.constant 0 : i32
    %dma_start3A_283 = tpu.memref_slice %arg6[%dma_start3A_275, %add3A_274, %dma_start3A_282] : memref<12x4096x1024xf32, #tpu.memory_space<hbm>> -> memref<1x120x1024xf32, #tpu.memory_space<hbm>>
    %dma_start3A_284 = tpu.memref_squeeze %dma_start3A_283 : memref<1x120x1024xf32, #tpu.memory_space<hbm>> -> memref<120x1024xf32, #tpu.memory_space<hbm>>
    %dma_start3A_285 = arith.constant 0 : i32
    %dma_start3A_286 = arith.constant 0 : i32
    %dma_start3A_287 = tpu.memref_slice %arg8[%dma_start3A_285, %dma_start3A_286] : memref<120x1024xf32, #tpu.memory_space<vmem>> -> memref<120x1024xf32, #tpu.memory_space<vmem>>
    tpu.enqueue_dma source(%dma_start3A_287 : memref<120x1024xf32, #tpu.memory_space<vmem>>) target(%dma_start3A_284 : memref<120x1024xf32, #tpu.memory_space<hbm>>) target_semaphore(%arg10 : memref<!tpu.dma_semaphore, #tpu.memory_space<semaphore_mem>>)
    %add3A_288 = arith.constant 0 : i32
    %add3A_289 = arith.addi %mul3A_2, %add3A_288 : i32
    %dma_start3A_290 = arith.constant 4 : i32
    %dma_start3A_291 = arith.constant 0 : i32
    %dma_start3A_292 = arith.constant 0 : i32
    %dma_start3A_293 = tpu.memref_slice %arg8[%dma_start3A_291, %dma_start3A_292] : memref<120x1024xf32, #tpu.memory_space<vmem>> -> memref<120x1024xf32, #tpu.memory_space<vmem>>
    %dma_start3A_294 = arith.constant 0 : i32
    %dma_start3A_295 = tpu.memref_slice %arg6[%dma_start3A_290, %add3A_289, %dma_start3A_294] : memref<12x4096x1024xf32, #tpu.memory_space<hbm>> -> memref<1x120x1024xf32, #tpu.memory_space<hbm>>
    %dma_start3A_296 = tpu.memref_squeeze %dma_start3A_295 : memref<1x120x1024xf32, #tpu.memory_space<hbm>> -> memref<120x1024xf32, #tpu.memory_space<hbm>>
    %dma_start3A_297 = arith.constant 0 : i32
    %dma_start3A_298 = tpu.memref_slice %arg6[%dma_start3A_290, %add3A_289, %dma_start3A_297] : memref<12x4096x1024xf32, #tpu.memory_space<hbm>> -> memref<1x120x1024xf32, #tpu.memory_space<hbm>>
    %dma_start3A_299 = tpu.memref_squeeze %dma_start3A_298 : memref<1x120x1024xf32, #tpu.memory_space<hbm>> -> memref<120x1024xf32, #tpu.memory_space<hbm>>
    %dma_start3A_300 = arith.constant 0 : i32
    %dma_start3A_301 = arith.constant 0 : i32
    %dma_start3A_302 = tpu.memref_slice %arg8[%dma_start3A_300, %dma_start3A_301] : memref<120x1024xf32, #tpu.memory_space<vmem>> -> memref<120x1024xf32, #tpu.memory_space<vmem>>
    tpu.enqueue_dma source(%dma_start3A_302 : memref<120x1024xf32, #tpu.memory_space<vmem>>) target(%dma_start3A_299 : memref<120x1024xf32, #tpu.memory_space<hbm>>) target_semaphore(%arg10 : memref<!tpu.dma_semaphore, #tpu.memory_space<semaphore_mem>>)
    %add3A_303 = arith.constant 0 : i32
    %add3A_304 = arith.addi %mul3A_2, %add3A_303 : i32
    %dma_start3A_305 = arith.constant 7 : i32
    %dma_start3A_306 = arith.constant 0 : i32
    %dma_start3A_307 = arith.constant 0 : i32
    %dma_start3A_308 = tpu.memref_slice %arg8[%dma_start3A_306, %dma_start3A_307] : memref<120x1024xf32, #tpu.memory_space<vmem>> -> memref<120x1024xf32, #tpu.memory_space<vmem>>
    %dma_start3A_309 = arith.constant 0 : i32
    %dma_start3A_310 = tpu.memref_slice %arg6[%dma_start3A_305, %add3A_304, %dma_start3A_309] : memref<12x4096x1024xf32, #tpu.memory_space<hbm>> -> memref<1x120x1024xf32, #tpu.memory_space<hbm>>
    %dma_start3A_311 = tpu.memref_squeeze %dma_start3A_310 : memref<1x120x1024xf32, #tpu.memory_space<hbm>> -> memref<120x1024xf32, #tpu.memory_space<hbm>>
    %dma_start3A_312 = arith.constant 0 : i32
    %dma_start3A_313 = tpu.memref_slice %arg6[%dma_start3A_305, %add3A_304, %dma_start3A_312] : memref<12x4096x1024xf32, #tpu.memory_space<hbm>> -> memref<1x120x1024xf32, #tpu.memory_space<hbm>>
    %dma_start3A_314 = tpu.memref_squeeze %dma_start3A_313 : memref<1x120x1024xf32, #tpu.memory_space<hbm>> -> memref<120x1024xf32, #tpu.memory_space<hbm>>
    %dma_start3A_315 = arith.constant 0 : i32
    %dma_start3A_316 = arith.constant 0 : i32
    %dma_start3A_317 = tpu.memref_slice %arg8[%dma_start3A_315, %dma_start3A_316] : memref<120x1024xf32, #tpu.memory_space<vmem>> -> memref<120x1024xf32, #tpu.memory_space<vmem>>
    tpu.enqueue_dma source(%dma_start3A_317 : memref<120x1024xf32, #tpu.memory_space<vmem>>) target(%dma_start3A_314 : memref<120x1024xf32, #tpu.memory_space<hbm>>) target_semaphore(%arg10 : memref<!tpu.dma_semaphore, #tpu.memory_space<semaphore_mem>>)
    %add3A_318 = arith.constant 0 : i32
    %add3A_319 = arith.addi %mul3A_2, %add3A_318 : i32
    %dma_start3A_320 = arith.constant 10 : i32
    %dma_start3A_321 = arith.constant 0 : i32
    %dma_start3A_322 = arith.constant 0 : i32
    %dma_start3A_323 = tpu.memref_slice %arg8[%dma_start3A_321, %dma_start3A_322] : memref<120x1024xf32, #tpu.memory_space<vmem>> -> memref<120x1024xf32, #tpu.memory_space<vmem>>
    %dma_start3A_324 = arith.constant 0 : i32
    %dma_start3A_325 = tpu.memref_slice %arg6[%dma_start3A_320, %add3A_319, %dma_start3A_324] : memref<12x4096x1024xf32, #tpu.memory_space<hbm>> -> memref<1x120x1024xf32, #tpu.memory_space<hbm>>
    %dma_start3A_326 = tpu.memref_squeeze %dma_start3A_325 : memref<1x120x1024xf32, #tpu.memory_space<hbm>> -> memref<120x1024xf32, #tpu.memory_space<hbm>>
    %dma_start3A_327 = arith.constant 0 : i32
    %dma_start3A_328 = tpu.memref_slice %arg6[%dma_start3A_320, %add3A_319, %dma_start3A_327] : memref<12x4096x1024xf32, #tpu.memory_space<hbm>> -> memref<1x120x1024xf32, #tpu.memory_space<hbm>>
    %dma_start3A_329 = tpu.memref_squeeze %dma_start3A_328 : memref<1x120x1024xf32, #tpu.memory_space<hbm>> -> memref<120x1024xf32, #tpu.memory_space<hbm>>
    %dma_start3A_330 = arith.constant 0 : i32
    %dma_start3A_331 = arith.constant 0 : i32
    %dma_start3A_332 = tpu.memref_slice %arg8[%dma_start3A_330, %dma_start3A_331] : memref<120x1024xf32, #tpu.memory_space<vmem>> -> memref<120x1024xf32, #tpu.memory_space<vmem>>
    tpu.enqueue_dma source(%dma_start3A_332 : memref<120x1024xf32, #tpu.memory_space<vmem>>) target(%dma_start3A_329 : memref<120x1024xf32, #tpu.memory_space<hbm>>) target_semaphore(%arg10 : memref<!tpu.dma_semaphore, #tpu.memory_space<semaphore_mem>>)
    %dma_wait3A_333 = arith.constant 1 : i32
    %dma_wait3A_334 = arith.constant 0 : i32
    %dma_wait3A_335 = arith.constant 0 : i32
    %dma_wait3A_336 = tpu.memref_slice %arg8[%dma_wait3A_334, %dma_wait3A_335] : memref<120x1024xf32, #tpu.memory_space<vmem>> -> memref<120x1024xf32, #tpu.memory_space<vmem>>
    %dma_wait3A_337 = arith.constant 0 : i32
    %dma_wait3A_338 = tpu.memref_slice %arg6[%dma_wait3A_333, %add3A_274, %dma_wait3A_337] : memref<12x4096x1024xf32, #tpu.memory_space<hbm>> -> memref<1x120x1024xf32, #tpu.memory_space<hbm>>
    %dma_wait3A_339 = tpu.memref_squeeze %dma_wait3A_338 : memref<1x120x1024xf32, #tpu.memory_space<hbm>> -> memref<120x1024xf32, #tpu.memory_space<hbm>>
    %dma_wait3A_340 = arith.constant 0 : i32
    %dma_wait3A_341 = tpu.memref_slice %arg6[%dma_wait3A_333, %add3A_274, %dma_wait3A_340] : memref<12x4096x1024xf32, #tpu.memory_space<hbm>> -> memref<1x120x1024xf32, #tpu.memory_space<hbm>>
    %dma_wait3A_342 = tpu.memref_squeeze %dma_wait3A_341 : memref<1x120x1024xf32, #tpu.memory_space<hbm>> -> memref<120x1024xf32, #tpu.memory_space<hbm>>
    %dma_wait3A_343 = arith.constant 0 : i32
    %dma_wait3A_344 = arith.constant 0 : i32
    %dma_wait3A_345 = tpu.memref_slice %arg8[%dma_wait3A_343, %dma_wait3A_344] : memref<120x1024xf32, #tpu.memory_space<vmem>> -> memref<120x1024xf32, #tpu.memory_space<vmem>>
    tpu.wait_dma2 semaphore(%arg10 : memref<!tpu.dma_semaphore, #tpu.memory_space<semaphore_mem>>) src(%dma_wait3A_345 : memref<120x1024xf32, #tpu.memory_space<vmem>>) dst(%dma_wait3A_342 : memref<120x1024xf32, #tpu.memory_space<hbm>>)
    %dma_wait3A_346 = arith.constant 4 : i32
    %dma_wait3A_347 = arith.constant 0 : i32
    %dma_wait3A_348 = arith.constant 0 : i32
    %dma_wait3A_349 = tpu.memref_slice %arg8[%dma_wait3A_347, %dma_wait3A_348] : memref<120x1024xf32, #tpu.memory_space<vmem>> -> memref<120x1024xf32, #tpu.memory_space<vmem>>
    %dma_wait3A_350 = arith.constant 0 : i32
    %dma_wait3A_351 = tpu.memref_slice %arg6[%dma_wait3A_346, %add3A_289, %dma_wait3A_350] : memref<12x4096x1024xf32, #tpu.memory_space<hbm>> -> memref<1x120x1024xf32, #tpu.memory_space<hbm>>
    %dma_wait3A_352 = tpu.memref_squeeze %dma_wait3A_351 : memref<1x120x1024xf32, #tpu.memory_space<hbm>> -> memref<120x1024xf32, #tpu.memory_space<hbm>>
    %dma_wait3A_353 = arith.constant 0 : i32
    %dma_wait3A_354 = tpu.memref_slice %arg6[%dma_wait3A_346, %add3A_289, %dma_wait3A_353] : memref<12x4096x1024xf32, #tpu.memory_space<hbm>> -> memref<1x120x1024xf32, #tpu.memory_space<hbm>>
    %dma_wait3A_355 = tpu.memref_squeeze %dma_wait3A_354 : memref<1x120x1024xf32, #tpu.memory_space<hbm>> -> memref<120x1024xf32, #tpu.memory_space<hbm>>
    %dma_wait3A_356 = arith.constant 0 : i32
    %dma_wait3A_357 = arith.constant 0 : i32
    %dma_wait3A_358 = tpu.memref_slice %arg8[%dma_wait3A_356, %dma_wait3A_357] : memref<120x1024xf32, #tpu.memory_space<vmem>> -> memref<120x1024xf32, #tpu.memory_space<vmem>>
    tpu.wait_dma2 semaphore(%arg10 : memref<!tpu.dma_semaphore, #tpu.memory_space<semaphore_mem>>) src(%dma_wait3A_358 : memref<120x1024xf32, #tpu.memory_space<vmem>>) dst(%dma_wait3A_355 : memref<120x1024xf32, #tpu.memory_space<hbm>>)
    %dma_wait3A_359 = arith.constant 7 : i32
    %dma_wait3A_360 = arith.constant 0 : i32
    %dma_wait3A_361 = arith.constant 0 : i32
    %dma_wait3A_362 = tpu.memref_slice %arg8[%dma_wait3A_360, %dma_wait3A_361] : memref<120x1024xf32, #tpu.memory_space<vmem>> -> memref<120x1024xf32, #tpu.memory_space<vmem>>
    %dma_wait3A_363 = arith.constant 0 : i32
    %dma_wait3A_364 = tpu.memref_slice %arg6[%dma_wait3A_359, %add3A_304, %dma_wait3A_363] : memref<12x4096x1024xf32, #tpu.memory_space<hbm>> -> memref<1x120x1024xf32, #tpu.memory_space<hbm>>
    %dma_wait3A_365 = tpu.memref_squeeze %dma_wait3A_364 : memref<1x120x1024xf32, #tpu.memory_space<hbm>> -> memref<120x1024xf32, #tpu.memory_space<hbm>>
    %dma_wait3A_366 = arith.constant 0 : i32
    %dma_wait3A_367 = tpu.memref_slice %arg6[%dma_wait3A_359, %add3A_304, %dma_wait3A_366] : memref<12x4096x1024xf32, #tpu.memory_space<hbm>> -> memref<1x120x1024xf32, #tpu.memory_space<hbm>>
    %dma_wait3A_368 = tpu.memref_squeeze %dma_wait3A_367 : memref<1x120x1024xf32, #tpu.memory_space<hbm>> -> memref<120x1024xf32, #tpu.memory_space<hbm>>
    %dma_wait3A_369 = arith.constant 0 : i32
    %dma_wait3A_370 = arith.constant 0 : i32
    %dma_wait3A_371 = tpu.memref_slice %arg8[%dma_wait3A_369, %dma_wait3A_370] : memref<120x1024xf32, #tpu.memory_space<vmem>> -> memref<120x1024xf32, #tpu.memory_space<vmem>>
    tpu.wait_dma2 semaphore(%arg10 : memref<!tpu.dma_semaphore, #tpu.memory_space<semaphore_mem>>) src(%dma_wait3A_371 : memref<120x1024xf32, #tpu.memory_space<vmem>>) dst(%dma_wait3A_368 : memref<120x1024xf32, #tpu.memory_space<hbm>>)
    %dma_wait3A_372 = arith.constant 10 : i32
    %dma_wait3A_373 = arith.constant 0 : i32
    %dma_wait3A_374 = arith.constant 0 : i32
    %dma_wait3A_375 = tpu.memref_slice %arg8[%dma_wait3A_373, %dma_wait3A_374] : memref<120x1024xf32, #tpu.memory_space<vmem>> -> memref<120x1024xf32, #tpu.memory_space<vmem>>
    %dma_wait3A_376 = arith.constant 0 : i32
    %dma_wait3A_377 = tpu.memref_slice %arg6[%dma_wait3A_372, %add3A_319, %dma_wait3A_376] : memref<12x4096x1024xf32, #tpu.memory_space<hbm>> -> memref<1x120x1024xf32, #tpu.memory_space<hbm>>
    %dma_wait3A_378 = tpu.memref_squeeze %dma_wait3A_377 : memref<1x120x1024xf32, #tpu.memory_space<hbm>> -> memref<120x1024xf32, #tpu.memory_space<hbm>>
    %dma_wait3A_379 = arith.constant 0 : i32
    %dma_wait3A_380 = tpu.memref_slice %arg6[%dma_wait3A_372, %add3A_319, %dma_wait3A_379] : memref<12x4096x1024xf32, #tpu.memory_space<hbm>> -> memref<1x120x1024xf32, #tpu.memory_space<hbm>>
    %dma_wait3A_381 = tpu.memref_squeeze %dma_wait3A_380 : memref<1x120x1024xf32, #tpu.memory_space<hbm>> -> memref<120x1024xf32, #tpu.memory_space<hbm>>
    %dma_wait3A_382 = arith.constant 0 : i32
    %dma_wait3A_383 = arith.constant 0 : i32
    %dma_wait3A_384 = tpu.memref_slice %arg8[%dma_wait3A_382, %dma_wait3A_383] : memref<120x1024xf32, #tpu.memory_space<vmem>> -> memref<120x1024xf32, #tpu.memory_space<vmem>>
    tpu.wait_dma2 semaphore(%arg10 : memref<!tpu.dma_semaphore, #tpu.memory_space<semaphore_mem>>) src(%dma_wait3A_384 : memref<120x1024xf32, #tpu.memory_space<vmem>>) dst(%dma_wait3A_381 : memref<120x1024xf32, #tpu.memory_space<hbm>>)
    %dma_start3A_385 = arith.constant 0 : i32
    %dma_start3A_386 = arith.constant 0 : i32
    %dma_start3A_387 = tpu.memref_slice %arg8[%dma_start3A_385, %dma_start3A_386] : memref<120x1024xf32, #tpu.memory_space<vmem>> -> memref<8x1024xf32, #tpu.memory_space<vmem>>
    %dma_start3A_388 = arith.constant 120 : i32
    %dma_start3A_389 = tpu.memref_slice %arg7[%dma_start3A_388] : memref<128xi32, #tpu.memory_space<vmem>> -> memref<8xi32, #tpu.memory_space<vmem>>
    %dma_start3A_390 = arith.constant 0 : i32
    %dma_start3A_391 = arith.constant 0 : i32
    %dma_start3A_392 = tpu.memref_slice %arg4[%dma_start3A_390, %dma_start3A_391] : memref<100000x1024xf32, #tpu.memory_space<hbm>> -> memref<100000x1024xf32, #tpu.memory_space<hbm>>
    tpu.enqueue_indirect_dma source(%dma_start3A_392 : memref<100000x1024xf32, #tpu.memory_space<hbm>>) target(%dma_start3A_387 : memref<8x1024xf32, #tpu.memory_space<vmem>>) offsets(%dma_start3A_389 : memref<8xi32, #tpu.memory_space<vmem>>) semaphore(%arg9 : memref<!tpu.dma_semaphore, #tpu.memory_space<semaphore_mem>>)
    %dma_wait3A_393 = arith.constant 0 : i32
    %dma_wait3A_394 = arith.constant 0 : i32
    %dma_wait3A_395 = tpu.memref_slice %arg8[%dma_wait3A_393, %dma_wait3A_394] : memref<120x1024xf32, #tpu.memory_space<vmem>> -> memref<8x1024xf32, #tpu.memory_space<vmem>>
    %dma_wait3A_396 = arith.constant 120 : i32
    %dma_wait3A_397 = tpu.memref_slice %arg7[%dma_wait3A_396] : memref<128xi32, #tpu.memory_space<vmem>> -> memref<8xi32, #tpu.memory_space<vmem>>
    %dma_wait3A_398 = arith.constant 0 : i32
    %dma_wait3A_399 = arith.constant 0 : i32
    %dma_wait3A_400 = tpu.memref_slice %arg4[%dma_wait3A_398, %dma_wait3A_399] : memref<100000x1024xf32, #tpu.memory_space<hbm>> -> memref<100000x1024xf32, #tpu.memory_space<hbm>>
    tpu.wait_indirect_dma semaphore(%arg9 : memref<!tpu.dma_semaphore, #tpu.memory_space<semaphore_mem>>) src(%dma_wait3A_400 : memref<100000x1024xf32, #tpu.memory_space<hbm>>) dst(%dma_wait3A_395 : memref<8x1024xf32, #tpu.memory_space<vmem>>)
    %add3A_401 = arith.constant 120 : i32
    %add3A_402 = arith.addi %mul3A_2, %add3A_401 : i32
    %dma_start3A_403 = arith.constant 1 : i32
    %dma_start3A_404 = arith.constant 0 : i32
    %dma_start3A_405 = arith.constant 0 : i32
    %dma_start3A_406 = tpu.memref_slice %arg8[%dma_start3A_404, %dma_start3A_405] : memref<120x1024xf32, #tpu.memory_space<vmem>> -> memref<8x1024xf32, #tpu.memory_space<vmem>>
    %dma_start3A_407 = arith.constant 0 : i32
    %dma_start3A_408 = tpu.memref_slice %arg6[%dma_start3A_403, %add3A_402, %dma_start3A_407] : memref<12x4096x1024xf32, #tpu.memory_space<hbm>> -> memref<1x8x1024xf32, #tpu.memory_space<hbm>>
    %dma_start3A_409 = tpu.memref_squeeze %dma_start3A_408 : memref<1x8x1024xf32, #tpu.memory_space<hbm>> -> memref<8x1024xf32, #tpu.memory_space<hbm>>
    %dma_start3A_410 = arith.constant 0 : i32
    %dma_start3A_411 = tpu.memref_slice %arg6[%dma_start3A_403, %add3A_402, %dma_start3A_410] : memref<12x4096x1024xf32, #tpu.memory_space<hbm>> -> memref<1x8x1024xf32, #tpu.memory_space<hbm>>
    %dma_start3A_412 = tpu.memref_squeeze %dma_start3A_411 : memref<1x8x1024xf32, #tpu.memory_space<hbm>> -> memref<8x1024xf32, #tpu.memory_space<hbm>>
    %dma_start3A_413 = arith.constant 0 : i32
    %dma_start3A_414 = arith.constant 0 : i32
    %dma_start3A_415 = tpu.memref_slice %arg8[%dma_start3A_413, %dma_start3A_414] : memref<120x1024xf32, #tpu.memory_space<vmem>> -> memref<8x1024xf32, #tpu.memory_space<vmem>>
    tpu.enqueue_dma source(%dma_start3A_415 : memref<8x1024xf32, #tpu.memory_space<vmem>>) target(%dma_start3A_412 : memref<8x1024xf32, #tpu.memory_space<hbm>>) target_semaphore(%arg10 : memref<!tpu.dma_semaphore, #tpu.memory_space<semaphore_mem>>)
    %add3A_416 = arith.constant 120 : i32
    %add3A_417 = arith.addi %mul3A_2, %add3A_416 : i32
    %dma_start3A_418 = arith.constant 4 : i32
    %dma_start3A_419 = arith.constant 0 : i32
    %dma_start3A_420 = arith.constant 0 : i32
    %dma_start3A_421 = tpu.memref_slice %arg8[%dma_start3A_419, %dma_start3A_420] : memref<120x1024xf32, #tpu.memory_space<vmem>> -> memref<8x1024xf32, #tpu.memory_space<vmem>>
    %dma_start3A_422 = arith.constant 0 : i32
    %dma_start3A_423 = tpu.memref_slice %arg6[%dma_start3A_418, %add3A_417, %dma_start3A_422] : memref<12x4096x1024xf32, #tpu.memory_space<hbm>> -> memref<1x8x1024xf32, #tpu.memory_space<hbm>>
    %dma_start3A_424 = tpu.memref_squeeze %dma_start3A_423 : memref<1x8x1024xf32, #tpu.memory_space<hbm>> -> memref<8x1024xf32, #tpu.memory_space<hbm>>
    %dma_start3A_425 = arith.constant 0 : i32
    %dma_start3A_426 = tpu.memref_slice %arg6[%dma_start3A_418, %add3A_417, %dma_start3A_425] : memref<12x4096x1024xf32, #tpu.memory_space<hbm>> -> memref<1x8x1024xf32, #tpu.memory_space<hbm>>
    %dma_start3A_427 = tpu.memref_squeeze %dma_start3A_426 : memref<1x8x1024xf32, #tpu.memory_space<hbm>> -> memref<8x1024xf32, #tpu.memory_space<hbm>>
    %dma_start3A_428 = arith.constant 0 : i32
    %dma_start3A_429 = arith.constant 0 : i32
    %dma_start3A_430 = tpu.memref_slice %arg8[%dma_start3A_428, %dma_start3A_429] : memref<120x1024xf32, #tpu.memory_space<vmem>> -> memref<8x1024xf32, #tpu.memory_space<vmem>>
    tpu.enqueue_dma source(%dma_start3A_430 : memref<8x1024xf32, #tpu.memory_space<vmem>>) target(%dma_start3A_427 : memref<8x1024xf32, #tpu.memory_space<hbm>>) target_semaphore(%arg10 : memref<!tpu.dma_semaphore, #tpu.memory_space<semaphore_mem>>)
    %add3A_431 = arith.constant 120 : i32
    %add3A_432 = arith.addi %mul3A_2, %add3A_431 : i32
    %dma_start3A_433 = arith.constant 7 : i32
    %dma_start3A_434 = arith.constant 0 : i32
    %dma_start3A_435 = arith.constant 0 : i32
    %dma_start3A_436 = tpu.memref_slice %arg8[%dma_start3A_434, %dma_start3A_435] : memref<120x1024xf32, #tpu.memory_space<vmem>> -> memref<8x1024xf32, #tpu.memory_space<vmem>>
    %dma_start3A_437 = arith.constant 0 : i32
    %dma_start3A_438 = tpu.memref_slice %arg6[%dma_start3A_433, %add3A_432, %dma_start3A_437] : memref<12x4096x1024xf32, #tpu.memory_space<hbm>> -> memref<1x8x1024xf32, #tpu.memory_space<hbm>>
    %dma_start3A_439 = tpu.memref_squeeze %dma_start3A_438 : memref<1x8x1024xf32, #tpu.memory_space<hbm>> -> memref<8x1024xf32, #tpu.memory_space<hbm>>
    %dma_start3A_440 = arith.constant 0 : i32
    %dma_start3A_441 = tpu.memref_slice %arg6[%dma_start3A_433, %add3A_432, %dma_start3A_440] : memref<12x4096x1024xf32, #tpu.memory_space<hbm>> -> memref<1x8x1024xf32, #tpu.memory_space<hbm>>
    %dma_start3A_442 = tpu.memref_squeeze %dma_start3A_441 : memref<1x8x1024xf32, #tpu.memory_space<hbm>> -> memref<8x1024xf32, #tpu.memory_space<hbm>>
    %dma_start3A_443 = arith.constant 0 : i32
    %dma_start3A_444 = arith.constant 0 : i32
    %dma_start3A_445 = tpu.memref_slice %arg8[%dma_start3A_443, %dma_start3A_444] : memref<120x1024xf32, #tpu.memory_space<vmem>> -> memref<8x1024xf32, #tpu.memory_space<vmem>>
    tpu.enqueue_dma source(%dma_start3A_445 : memref<8x1024xf32, #tpu.memory_space<vmem>>) target(%dma_start3A_442 : memref<8x1024xf32, #tpu.memory_space<hbm>>) target_semaphore(%arg10 : memref<!tpu.dma_semaphore, #tpu.memory_space<semaphore_mem>>)
    %add3A_446 = arith.constant 120 : i32
    %add3A_447 = arith.addi %mul3A_2, %add3A_446 : i32
    %dma_start3A_448 = arith.constant 10 : i32
    %dma_start3A_449 = arith.constant 0 : i32
    %dma_start3A_450 = arith.constant 0 : i32
    %dma_start3A_451 = tpu.memref_slice %arg8[%dma_start3A_449, %dma_start3A_450] : memref<120x1024xf32, #tpu.memory_space<vmem>> -> memref<8x1024xf32, #tpu.memory_space<vmem>>
    %dma_start3A_452 = arith.constant 0 : i32
    %dma_start3A_453 = tpu.memref_slice %arg6[%dma_start3A_448, %add3A_447, %dma_start3A_452] : memref<12x4096x1024xf32, #tpu.memory_space<hbm>> -> memref<1x8x1024xf32, #tpu.memory_space<hbm>>
    %dma_start3A_454 = tpu.memref_squeeze %dma_start3A_453 : memref<1x8x1024xf32, #tpu.memory_space<hbm>> -> memref<8x1024xf32, #tpu.memory_space<hbm>>
    %dma_start3A_455 = arith.constant 0 : i32
    %dma_start3A_456 = tpu.memref_slice %arg6[%dma_start3A_448, %add3A_447, %dma_start3A_455] : memref<12x4096x1024xf32, #tpu.memory_space<hbm>> -> memref<1x8x1024xf32, #tpu.memory_space<hbm>>
    %dma_start3A_457 = tpu.memref_squeeze %dma_start3A_456 : memref<1x8x1024xf32, #tpu.memory_space<hbm>> -> memref<8x1024xf32, #tpu.memory_space<hbm>>
    %dma_start3A_458 = arith.constant 0 : i32
    %dma_start3A_459 = arith.constant 0 : i32
    %dma_start3A_460 = tpu.memref_slice %arg8[%dma_start3A_458, %dma_start3A_459] : memref<120x1024xf32, #tpu.memory_space<vmem>> -> memref<8x1024xf32, #tpu.memory_space<vmem>>
    tpu.enqueue_dma source(%dma_start3A_460 : memref<8x1024xf32, #tpu.memory_space<vmem>>) target(%dma_start3A_457 : memref<8x1024xf32, #tpu.memory_space<hbm>>) target_semaphore(%arg10 : memref<!tpu.dma_semaphore, #tpu.memory_space<semaphore_mem>>)
    %dma_wait3A_461 = arith.constant 1 : i32
    %dma_wait3A_462 = arith.constant 0 : i32
    %dma_wait3A_463 = arith.constant 0 : i32
    %dma_wait3A_464 = tpu.memref_slice %arg8[%dma_wait3A_462, %dma_wait3A_463] : memref<120x1024xf32, #tpu.memory_space<vmem>> -> memref<8x1024xf32, #tpu.memory_space<vmem>>
    %dma_wait3A_465 = arith.constant 0 : i32
    %dma_wait3A_466 = tpu.memref_slice %arg6[%dma_wait3A_461, %add3A_402, %dma_wait3A_465] : memref<12x4096x1024xf32, #tpu.memory_space<hbm>> -> memref<1x8x1024xf32, #tpu.memory_space<hbm>>
    %dma_wait3A_467 = tpu.memref_squeeze %dma_wait3A_466 : memref<1x8x1024xf32, #tpu.memory_space<hbm>> -> memref<8x1024xf32, #tpu.memory_space<hbm>>
    %dma_wait3A_468 = arith.constant 0 : i32
    %dma_wait3A_469 = tpu.memref_slice %arg6[%dma_wait3A_461, %add3A_402, %dma_wait3A_468] : memref<12x4096x1024xf32, #tpu.memory_space<hbm>> -> memref<1x8x1024xf32, #tpu.memory_space<hbm>>
    %dma_wait3A_470 = tpu.memref_squeeze %dma_wait3A_469 : memref<1x8x1024xf32, #tpu.memory_space<hbm>> -> memref<8x1024xf32, #tpu.memory_space<hbm>>
    %dma_wait3A_471 = arith.constant 0 : i32
    %dma_wait3A_472 = arith.constant 0 : i32
    %dma_wait3A_473 = tpu.memref_slice %arg8[%dma_wait3A_471, %dma_wait3A_472] : memref<120x1024xf32, #tpu.memory_space<vmem>> -> memref<8x1024xf32, #tpu.memory_space<vmem>>
    tpu.wait_dma2 semaphore(%arg10 : memref<!tpu.dma_semaphore, #tpu.memory_space<semaphore_mem>>) src(%dma_wait3A_473 : memref<8x1024xf32, #tpu.memory_space<vmem>>) dst(%dma_wait3A_470 : memref<8x1024xf32, #tpu.memory_space<hbm>>)
    %dma_wait3A_474 = arith.constant 4 : i32
    %dma_wait3A_475 = arith.constant 0 : i32
    %dma_wait3A_476 = arith.constant 0 : i32
    %dma_wait3A_477 = tpu.memref_slice %arg8[%dma_wait3A_475, %dma_wait3A_476] : memref<120x1024xf32, #tpu.memory_space<vmem>> -> memref<8x1024xf32, #tpu.memory_space<vmem>>
    %dma_wait3A_478 = arith.constant 0 : i32
    %dma_wait3A_479 = tpu.memref_slice %arg6[%dma_wait3A_474, %add3A_417, %dma_wait3A_478] : memref<12x4096x1024xf32, #tpu.memory_space<hbm>> -> memref<1x8x1024xf32, #tpu.memory_space<hbm>>
    %dma_wait3A_480 = tpu.memref_squeeze %dma_wait3A_479 : memref<1x8x1024xf32, #tpu.memory_space<hbm>> -> memref<8x1024xf32, #tpu.memory_space<hbm>>
    %dma_wait3A_481 = arith.constant 0 : i32
    %dma_wait3A_482 = tpu.memref_slice %arg6[%dma_wait3A_474, %add3A_417, %dma_wait3A_481] : memref<12x4096x1024xf32, #tpu.memory_space<hbm>> -> memref<1x8x1024xf32, #tpu.memory_space<hbm>>
    %dma_wait3A_483 = tpu.memref_squeeze %dma_wait3A_482 : memref<1x8x1024xf32, #tpu.memory_space<hbm>> -> memref<8x1024xf32, #tpu.memory_space<hbm>>
    %dma_wait3A_484 = arith.constant 0 : i32
    %dma_wait3A_485 = arith.constant 0 : i32
    %dma_wait3A_486 = tpu.memref_slice %arg8[%dma_wait3A_484, %dma_wait3A_485] : memref<120x1024xf32, #tpu.memory_space<vmem>> -> memref<8x1024xf32, #tpu.memory_space<vmem>>
    tpu.wait_dma2 semaphore(%arg10 : memref<!tpu.dma_semaphore, #tpu.memory_space<semaphore_mem>>) src(%dma_wait3A_486 : memref<8x1024xf32, #tpu.memory_space<vmem>>) dst(%dma_wait3A_483 : memref<8x1024xf32, #tpu.memory_space<hbm>>)
    %dma_wait3A_487 = arith.constant 7 : i32
    %dma_wait3A_488 = arith.constant 0 : i32
    %dma_wait3A_489 = arith.constant 0 : i32
    %dma_wait3A_490 = tpu.memref_slice %arg8[%dma_wait3A_488, %dma_wait3A_489] : memref<120x1024xf32, #tpu.memory_space<vmem>> -> memref<8x1024xf32, #tpu.memory_space<vmem>>
    %dma_wait3A_491 = arith.constant 0 : i32
    %dma_wait3A_492 = tpu.memref_slice %arg6[%dma_wait3A_487, %add3A_432, %dma_wait3A_491] : memref<12x4096x1024xf32, #tpu.memory_space<hbm>> -> memref<1x8x1024xf32, #tpu.memory_space<hbm>>
    %dma_wait3A_493 = tpu.memref_squeeze %dma_wait3A_492 : memref<1x8x1024xf32, #tpu.memory_space<hbm>> -> memref<8x1024xf32, #tpu.memory_space<hbm>>
    %dma_wait3A_494 = arith.constant 0 : i32
    %dma_wait3A_495 = tpu.memref_slice %arg6[%dma_wait3A_487, %add3A_432, %dma_wait3A_494] : memref<12x4096x1024xf32, #tpu.memory_space<hbm>> -> memref<1x8x1024xf32, #tpu.memory_space<hbm>>
    %dma_wait3A_496 = tpu.memref_squeeze %dma_wait3A_495 : memref<1x8x1024xf32, #tpu.memory_space<hbm>> -> memref<8x1024xf32, #tpu.memory_space<hbm>>
    %dma_wait3A_497 = arith.constant 0 : i32
    %dma_wait3A_498 = arith.constant 0 : i32
    %dma_wait3A_499 = tpu.memref_slice %arg8[%dma_wait3A_497, %dma_wait3A_498] : memref<120x1024xf32, #tpu.memory_space<vmem>> -> memref<8x1024xf32, #tpu.memory_space<vmem>>
    tpu.wait_dma2 semaphore(%arg10 : memref<!tpu.dma_semaphore, #tpu.memory_space<semaphore_mem>>) src(%dma_wait3A_499 : memref<8x1024xf32, #tpu.memory_space<vmem>>) dst(%dma_wait3A_496 : memref<8x1024xf32, #tpu.memory_space<hbm>>)
    %dma_wait3A_500 = arith.constant 10 : i32
    %dma_wait3A_501 = arith.constant 0 : i32
    %dma_wait3A_502 = arith.constant 0 : i32
    %dma_wait3A_503 = tpu.memref_slice %arg8[%dma_wait3A_501, %dma_wait3A_502] : memref<120x1024xf32, #tpu.memory_space<vmem>> -> memref<8x1024xf32, #tpu.memory_space<vmem>>
    %dma_wait3A_504 = arith.constant 0 : i32
    %dma_wait3A_505 = tpu.memref_slice %arg6[%dma_wait3A_500, %add3A_447, %dma_wait3A_504] : memref<12x4096x1024xf32, #tpu.memory_space<hbm>> -> memref<1x8x1024xf32, #tpu.memory_space<hbm>>
    %dma_wait3A_506 = tpu.memref_squeeze %dma_wait3A_505 : memref<1x8x1024xf32, #tpu.memory_space<hbm>> -> memref<8x1024xf32, #tpu.memory_space<hbm>>
    %dma_wait3A_507 = arith.constant 0 : i32
    %dma_wait3A_508 = tpu.memref_slice %arg6[%dma_wait3A_500, %add3A_447, %dma_wait3A_507] : memref<12x4096x1024xf32, #tpu.memory_space<hbm>> -> memref<1x8x1024xf32, #tpu.memory_space<hbm>>
    %dma_wait3A_509 = tpu.memref_squeeze %dma_wait3A_508 : memref<1x8x1024xf32, #tpu.memory_space<hbm>> -> memref<8x1024xf32, #tpu.memory_space<hbm>>
    %dma_wait3A_510 = arith.constant 0 : i32
    %dma_wait3A_511 = arith.constant 0 : i32
    %dma_wait3A_512 = tpu.memref_slice %arg8[%dma_wait3A_510, %dma_wait3A_511] : memref<120x1024xf32, #tpu.memory_space<vmem>> -> memref<8x1024xf32, #tpu.memory_space<vmem>>
    tpu.wait_dma2 semaphore(%arg10 : memref<!tpu.dma_semaphore, #tpu.memory_space<semaphore_mem>>) src(%dma_wait3A_512 : memref<8x1024xf32, #tpu.memory_space<vmem>>) dst(%dma_wait3A_509 : memref<8x1024xf32, #tpu.memory_space<hbm>>)
    %dma_start3A_513 = arith.constant 0 : i32
    %dma_start3A_514 = arith.constant 0 : i32
    %dma_start3A_515 = tpu.memref_slice %arg8[%dma_start3A_513, %dma_start3A_514] : memref<120x1024xf32, #tpu.memory_space<vmem>> -> memref<120x1024xf32, #tpu.memory_space<vmem>>
    %dma_start3A_516 = arith.constant 0 : i32
    %dma_start3A_517 = tpu.memref_slice %arg7[%dma_start3A_516] : memref<128xi32, #tpu.memory_space<vmem>> -> memref<120xi32, #tpu.memory_space<vmem>>
    %dma_start3A_518 = arith.constant 0 : i32
    %dma_start3A_519 = arith.constant 0 : i32
    %dma_start3A_520 = tpu.memref_slice %arg5[%dma_start3A_518, %dma_start3A_519] : memref<100000x1024xf32, #tpu.memory_space<hbm>> -> memref<100000x1024xf32, #tpu.memory_space<hbm>>
    tpu.enqueue_indirect_dma source(%dma_start3A_520 : memref<100000x1024xf32, #tpu.memory_space<hbm>>) target(%dma_start3A_515 : memref<120x1024xf32, #tpu.memory_space<vmem>>) offsets(%dma_start3A_517 : memref<120xi32, #tpu.memory_space<vmem>>) semaphore(%arg9 : memref<!tpu.dma_semaphore, #tpu.memory_space<semaphore_mem>>)
    %dma_wait3A_521 = arith.constant 0 : i32
    %dma_wait3A_522 = arith.constant 0 : i32
    %dma_wait3A_523 = tpu.memref_slice %arg8[%dma_wait3A_521, %dma_wait3A_522] : memref<120x1024xf32, #tpu.memory_space<vmem>> -> memref<120x1024xf32, #tpu.memory_space<vmem>>
    %dma_wait3A_524 = arith.constant 0 : i32
    %dma_wait3A_525 = tpu.memref_slice %arg7[%dma_wait3A_524] : memref<128xi32, #tpu.memory_space<vmem>> -> memref<120xi32, #tpu.memory_space<vmem>>
    %dma_wait3A_526 = arith.constant 0 : i32
    %dma_wait3A_527 = arith.constant 0 : i32
    %dma_wait3A_528 = tpu.memref_slice %arg5[%dma_wait3A_526, %dma_wait3A_527] : memref<100000x1024xf32, #tpu.memory_space<hbm>> -> memref<100000x1024xf32, #tpu.memory_space<hbm>>
    tpu.wait_indirect_dma semaphore(%arg9 : memref<!tpu.dma_semaphore, #tpu.memory_space<semaphore_mem>>) src(%dma_wait3A_528 : memref<100000x1024xf32, #tpu.memory_space<hbm>>) dst(%dma_wait3A_523 : memref<120x1024xf32, #tpu.memory_space<vmem>>)
    %add3A_529 = arith.constant 0 : i32
    %add3A_530 = arith.addi %mul3A_2, %add3A_529 : i32
    %dma_start3A_531 = arith.constant 2 : i32
    %dma_start3A_532 = arith.constant 0 : i32
    %dma_start3A_533 = arith.constant 0 : i32
    %dma_start3A_534 = tpu.memref_slice %arg8[%dma_start3A_532, %dma_start3A_533] : memref<120x1024xf32, #tpu.memory_space<vmem>> -> memref<120x1024xf32, #tpu.memory_space<vmem>>
    %dma_start3A_535 = arith.constant 0 : i32
    %dma_start3A_536 = tpu.memref_slice %arg6[%dma_start3A_531, %add3A_530, %dma_start3A_535] : memref<12x4096x1024xf32, #tpu.memory_space<hbm>> -> memref<1x120x1024xf32, #tpu.memory_space<hbm>>
    %dma_start3A_537 = tpu.memref_squeeze %dma_start3A_536 : memref<1x120x1024xf32, #tpu.memory_space<hbm>> -> memref<120x1024xf32, #tpu.memory_space<hbm>>
    %dma_start3A_538 = arith.constant 0 : i32
    %dma_start3A_539 = tpu.memref_slice %arg6[%dma_start3A_531, %add3A_530, %dma_start3A_538] : memref<12x4096x1024xf32, #tpu.memory_space<hbm>> -> memref<1x120x1024xf32, #tpu.memory_space<hbm>>
    %dma_start3A_540 = tpu.memref_squeeze %dma_start3A_539 : memref<1x120x1024xf32, #tpu.memory_space<hbm>> -> memref<120x1024xf32, #tpu.memory_space<hbm>>
    %dma_start3A_541 = arith.constant 0 : i32
    %dma_start3A_542 = arith.constant 0 : i32
    %dma_start3A_543 = tpu.memref_slice %arg8[%dma_start3A_541, %dma_start3A_542] : memref<120x1024xf32, #tpu.memory_space<vmem>> -> memref<120x1024xf32, #tpu.memory_space<vmem>>
    tpu.enqueue_dma source(%dma_start3A_543 : memref<120x1024xf32, #tpu.memory_space<vmem>>) target(%dma_start3A_540 : memref<120x1024xf32, #tpu.memory_space<hbm>>) target_semaphore(%arg10 : memref<!tpu.dma_semaphore, #tpu.memory_space<semaphore_mem>>)
    %add3A_544 = arith.constant 0 : i32
    %add3A_545 = arith.addi %mul3A_2, %add3A_544 : i32
    %dma_start3A_546 = arith.constant 5 : i32
    %dma_start3A_547 = arith.constant 0 : i32
    %dma_start3A_548 = arith.constant 0 : i32
    %dma_start3A_549 = tpu.memref_slice %arg8[%dma_start3A_547, %dma_start3A_548] : memref<120x1024xf32, #tpu.memory_space<vmem>> -> memref<120x1024xf32, #tpu.memory_space<vmem>>
    %dma_start3A_550 = arith.constant 0 : i32
    %dma_start3A_551 = tpu.memref_slice %arg6[%dma_start3A_546, %add3A_545, %dma_start3A_550] : memref<12x4096x1024xf32, #tpu.memory_space<hbm>> -> memref<1x120x1024xf32, #tpu.memory_space<hbm>>
    %dma_start3A_552 = tpu.memref_squeeze %dma_start3A_551 : memref<1x120x1024xf32, #tpu.memory_space<hbm>> -> memref<120x1024xf32, #tpu.memory_space<hbm>>
    %dma_start3A_553 = arith.constant 0 : i32
    %dma_start3A_554 = tpu.memref_slice %arg6[%dma_start3A_546, %add3A_545, %dma_start3A_553] : memref<12x4096x1024xf32, #tpu.memory_space<hbm>> -> memref<1x120x1024xf32, #tpu.memory_space<hbm>>
    %dma_start3A_555 = tpu.memref_squeeze %dma_start3A_554 : memref<1x120x1024xf32, #tpu.memory_space<hbm>> -> memref<120x1024xf32, #tpu.memory_space<hbm>>
    %dma_start3A_556 = arith.constant 0 : i32
    %dma_start3A_557 = arith.constant 0 : i32
    %dma_start3A_558 = tpu.memref_slice %arg8[%dma_start3A_556, %dma_start3A_557] : memref<120x1024xf32, #tpu.memory_space<vmem>> -> memref<120x1024xf32, #tpu.memory_space<vmem>>
    tpu.enqueue_dma source(%dma_start3A_558 : memref<120x1024xf32, #tpu.memory_space<vmem>>) target(%dma_start3A_555 : memref<120x1024xf32, #tpu.memory_space<hbm>>) target_semaphore(%arg10 : memref<!tpu.dma_semaphore, #tpu.memory_space<semaphore_mem>>)
    %add3A_559 = arith.constant 0 : i32
    %add3A_560 = arith.addi %mul3A_2, %add3A_559 : i32
    %dma_start3A_561 = arith.constant 8 : i32
    %dma_start3A_562 = arith.constant 0 : i32
    %dma_start3A_563 = arith.constant 0 : i32
    %dma_start3A_564 = tpu.memref_slice %arg8[%dma_start3A_562, %dma_start3A_563] : memref<120x1024xf32, #tpu.memory_space<vmem>> -> memref<120x1024xf32, #tpu.memory_space<vmem>>
    %dma_start3A_565 = arith.constant 0 : i32
    %dma_start3A_566 = tpu.memref_slice %arg6[%dma_start3A_561, %add3A_560, %dma_start3A_565] : memref<12x4096x1024xf32, #tpu.memory_space<hbm>> -> memref<1x120x1024xf32, #tpu.memory_space<hbm>>
    %dma_start3A_567 = tpu.memref_squeeze %dma_start3A_566 : memref<1x120x1024xf32, #tpu.memory_space<hbm>> -> memref<120x1024xf32, #tpu.memory_space<hbm>>
    %dma_start3A_568 = arith.constant 0 : i32
    %dma_start3A_569 = tpu.memref_slice %arg6[%dma_start3A_561, %add3A_560, %dma_start3A_568] : memref<12x4096x1024xf32, #tpu.memory_space<hbm>> -> memref<1x120x1024xf32, #tpu.memory_space<hbm>>
    %dma_start3A_570 = tpu.memref_squeeze %dma_start3A_569 : memref<1x120x1024xf32, #tpu.memory_space<hbm>> -> memref<120x1024xf32, #tpu.memory_space<hbm>>
    %dma_start3A_571 = arith.constant 0 : i32
    %dma_start3A_572 = arith.constant 0 : i32
    %dma_start3A_573 = tpu.memref_slice %arg8[%dma_start3A_571, %dma_start3A_572] : memref<120x1024xf32, #tpu.memory_space<vmem>> -> memref<120x1024xf32, #tpu.memory_space<vmem>>
    tpu.enqueue_dma source(%dma_start3A_573 : memref<120x1024xf32, #tpu.memory_space<vmem>>) target(%dma_start3A_570 : memref<120x1024xf32, #tpu.memory_space<hbm>>) target_semaphore(%arg10 : memref<!tpu.dma_semaphore, #tpu.memory_space<semaphore_mem>>)
    %add3A_574 = arith.constant 0 : i32
    %add3A_575 = arith.addi %mul3A_2, %add3A_574 : i32
    %dma_start3A_576 = arith.constant 11 : i32
    %dma_start3A_577 = arith.constant 0 : i32
    %dma_start3A_578 = arith.constant 0 : i32
    %dma_start3A_579 = tpu.memref_slice %arg8[%dma_start3A_577, %dma_start3A_578] : memref<120x1024xf32, #tpu.memory_space<vmem>> -> memref<120x1024xf32, #tpu.memory_space<vmem>>
    %dma_start3A_580 = arith.constant 0 : i32
    %dma_start3A_581 = tpu.memref_slice %arg6[%dma_start3A_576, %add3A_575, %dma_start3A_580] : memref<12x4096x1024xf32, #tpu.memory_space<hbm>> -> memref<1x120x1024xf32, #tpu.memory_space<hbm>>
    %dma_start3A_582 = tpu.memref_squeeze %dma_start3A_581 : memref<1x120x1024xf32, #tpu.memory_space<hbm>> -> memref<120x1024xf32, #tpu.memory_space<hbm>>
    %dma_start3A_583 = arith.constant 0 : i32
    %dma_start3A_584 = tpu.memref_slice %arg6[%dma_start3A_576, %add3A_575, %dma_start3A_583] : memref<12x4096x1024xf32, #tpu.memory_space<hbm>> -> memref<1x120x1024xf32, #tpu.memory_space<hbm>>
    %dma_start3A_585 = tpu.memref_squeeze %dma_start3A_584 : memref<1x120x1024xf32, #tpu.memory_space<hbm>> -> memref<120x1024xf32, #tpu.memory_space<hbm>>
    %dma_start3A_586 = arith.constant 0 : i32
    %dma_start3A_587 = arith.constant 0 : i32
    %dma_start3A_588 = tpu.memref_slice %arg8[%dma_start3A_586, %dma_start3A_587] : memref<120x1024xf32, #tpu.memory_space<vmem>> -> memref<120x1024xf32, #tpu.memory_space<vmem>>
    tpu.enqueue_dma source(%dma_start3A_588 : memref<120x1024xf32, #tpu.memory_space<vmem>>) target(%dma_start3A_585 : memref<120x1024xf32, #tpu.memory_space<hbm>>) target_semaphore(%arg10 : memref<!tpu.dma_semaphore, #tpu.memory_space<semaphore_mem>>)
    %dma_wait3A_589 = arith.constant 2 : i32
    %dma_wait3A_590 = arith.constant 0 : i32
    %dma_wait3A_591 = arith.constant 0 : i32
    %dma_wait3A_592 = tpu.memref_slice %arg8[%dma_wait3A_590, %dma_wait3A_591] : memref<120x1024xf32, #tpu.memory_space<vmem>> -> memref<120x1024xf32, #tpu.memory_space<vmem>>
    %dma_wait3A_593 = arith.constant 0 : i32
    %dma_wait3A_594 = tpu.memref_slice %arg6[%dma_wait3A_589, %add3A_530, %dma_wait3A_593] : memref<12x4096x1024xf32, #tpu.memory_space<hbm>> -> memref<1x120x1024xf32, #tpu.memory_space<hbm>>
    %dma_wait3A_595 = tpu.memref_squeeze %dma_wait3A_594 : memref<1x120x1024xf32, #tpu.memory_space<hbm>> -> memref<120x1024xf32, #tpu.memory_space<hbm>>
    %dma_wait3A_596 = arith.constant 0 : i32
    %dma_wait3A_597 = tpu.memref_slice %arg6[%dma_wait3A_589, %add3A_530, %dma_wait3A_596] : memref<12x4096x1024xf32, #tpu.memory_space<hbm>> -> memref<1x120x1024xf32, #tpu.memory_space<hbm>>
    %dma_wait3A_598 = tpu.memref_squeeze %dma_wait3A_597 : memref<1x120x1024xf32, #tpu.memory_space<hbm>> -> memref<120x1024xf32, #tpu.memory_space<hbm>>
    %dma_wait3A_599 = arith.constant 0 : i32
    %dma_wait3A_600 = arith.constant 0 : i32
    %dma_wait3A_601 = tpu.memref_slice %arg8[%dma_wait3A_599, %dma_wait3A_600] : memref<120x1024xf32, #tpu.memory_space<vmem>> -> memref<120x1024xf32, #tpu.memory_space<vmem>>
    tpu.wait_dma2 semaphore(%arg10 : memref<!tpu.dma_semaphore, #tpu.memory_space<semaphore_mem>>) src(%dma_wait3A_601 : memref<120x1024xf32, #tpu.memory_space<vmem>>) dst(%dma_wait3A_598 : memref<120x1024xf32, #tpu.memory_space<hbm>>)
    %dma_wait3A_602 = arith.constant 5 : i32
    %dma_wait3A_603 = arith.constant 0 : i32
    %dma_wait3A_604 = arith.constant 0 : i32
    %dma_wait3A_605 = tpu.memref_slice %arg8[%dma_wait3A_603, %dma_wait3A_604] : memref<120x1024xf32, #tpu.memory_space<vmem>> -> memref<120x1024xf32, #tpu.memory_space<vmem>>
    %dma_wait3A_606 = arith.constant 0 : i32
    %dma_wait3A_607 = tpu.memref_slice %arg6[%dma_wait3A_602, %add3A_545, %dma_wait3A_606] : memref<12x4096x1024xf32, #tpu.memory_space<hbm>> -> memref<1x120x1024xf32, #tpu.memory_space<hbm>>
    %dma_wait3A_608 = tpu.memref_squeeze %dma_wait3A_607 : memref<1x120x1024xf32, #tpu.memory_space<hbm>> -> memref<120x1024xf32, #tpu.memory_space<hbm>>
    %dma_wait3A_609 = arith.constant 0 : i32
    %dma_wait3A_610 = tpu.memref_slice %arg6[%dma_wait3A_602, %add3A_545, %dma_wait3A_609] : memref<12x4096x1024xf32, #tpu.memory_space<hbm>> -> memref<1x120x1024xf32, #tpu.memory_space<hbm>>
    %dma_wait3A_611 = tpu.memref_squeeze %dma_wait3A_610 : memref<1x120x1024xf32, #tpu.memory_space<hbm>> -> memref<120x1024xf32, #tpu.memory_space<hbm>>
    %dma_wait3A_612 = arith.constant 0 : i32
    %dma_wait3A_613 = arith.constant 0 : i32
    %dma_wait3A_614 = tpu.memref_slice %arg8[%dma_wait3A_612, %dma_wait3A_613] : memref<120x1024xf32, #tpu.memory_space<vmem>> -> memref<120x1024xf32, #tpu.memory_space<vmem>>
    tpu.wait_dma2 semaphore(%arg10 : memref<!tpu.dma_semaphore, #tpu.memory_space<semaphore_mem>>) src(%dma_wait3A_614 : memref<120x1024xf32, #tpu.memory_space<vmem>>) dst(%dma_wait3A_611 : memref<120x1024xf32, #tpu.memory_space<hbm>>)
    %dma_wait3A_615 = arith.constant 8 : i32
    %dma_wait3A_616 = arith.constant 0 : i32
    %dma_wait3A_617 = arith.constant 0 : i32
    %dma_wait3A_618 = tpu.memref_slice %arg8[%dma_wait3A_616, %dma_wait3A_617] : memref<120x1024xf32, #tpu.memory_space<vmem>> -> memref<120x1024xf32, #tpu.memory_space<vmem>>
    %dma_wait3A_619 = arith.constant 0 : i32
    %dma_wait3A_620 = tpu.memref_slice %arg6[%dma_wait3A_615, %add3A_560, %dma_wait3A_619] : memref<12x4096x1024xf32, #tpu.memory_space<hbm>> -> memref<1x120x1024xf32, #tpu.memory_space<hbm>>
    %dma_wait3A_621 = tpu.memref_squeeze %dma_wait3A_620 : memref<1x120x1024xf32, #tpu.memory_space<hbm>> -> memref<120x1024xf32, #tpu.memory_space<hbm>>
    %dma_wait3A_622 = arith.constant 0 : i32
    %dma_wait3A_623 = tpu.memref_slice %arg6[%dma_wait3A_615, %add3A_560, %dma_wait3A_622] : memref<12x4096x1024xf32, #tpu.memory_space<hbm>> -> memref<1x120x1024xf32, #tpu.memory_space<hbm>>
    %dma_wait3A_624 = tpu.memref_squeeze %dma_wait3A_623 : memref<1x120x1024xf32, #tpu.memory_space<hbm>> -> memref<120x1024xf32, #tpu.memory_space<hbm>>
    %dma_wait3A_625 = arith.constant 0 : i32
    %dma_wait3A_626 = arith.constant 0 : i32
    %dma_wait3A_627 = tpu.memref_slice %arg8[%dma_wait3A_625, %dma_wait3A_626] : memref<120x1024xf32, #tpu.memory_space<vmem>> -> memref<120x1024xf32, #tpu.memory_space<vmem>>
    tpu.wait_dma2 semaphore(%arg10 : memref<!tpu.dma_semaphore, #tpu.memory_space<semaphore_mem>>) src(%dma_wait3A_627 : memref<120x1024xf32, #tpu.memory_space<vmem>>) dst(%dma_wait3A_624 : memref<120x1024xf32, #tpu.memory_space<hbm>>)
    %dma_wait3A_628 = arith.constant 11 : i32
    %dma_wait3A_629 = arith.constant 0 : i32
    %dma_wait3A_630 = arith.constant 0 : i32
    %dma_wait3A_631 = tpu.memref_slice %arg8[%dma_wait3A_629, %dma_wait3A_630] : memref<120x1024xf32, #tpu.memory_space<vmem>> -> memref<120x1024xf32, #tpu.memory_space<vmem>>
    %dma_wait3A_632 = arith.constant 0 : i32
    %dma_wait3A_633 = tpu.memref_slice %arg6[%dma_wait3A_628, %add3A_575, %dma_wait3A_632] : memref<12x4096x1024xf32, #tpu.memory_space<hbm>> -> memref<1x120x1024xf32, #tpu.memory_space<hbm>>
    %dma_wait3A_634 = tpu.memref_squeeze %dma_wait3A_633 : memref<1x120x1024xf32, #tpu.memory_space<hbm>> -> memref<120x1024xf32, #tpu.memory_space<hbm>>
    %dma_wait3A_635 = arith.constant 0 : i32
    %dma_wait3A_636 = tpu.memref_slice %arg6[%dma_wait3A_628, %add3A_575, %dma_wait3A_635] : memref<12x4096x1024xf32, #tpu.memory_space<hbm>> -> memref<1x120x1024xf32, #tpu.memory_space<hbm>>
    %dma_wait3A_637 = tpu.memref_squeeze %dma_wait3A_636 : memref<1x120x1024xf32, #tpu.memory_space<hbm>> -> memref<120x1024xf32, #tpu.memory_space<hbm>>
    %dma_wait3A_638 = arith.constant 0 : i32
    %dma_wait3A_639 = arith.constant 0 : i32
    %dma_wait3A_640 = tpu.memref_slice %arg8[%dma_wait3A_638, %dma_wait3A_639] : memref<120x1024xf32, #tpu.memory_space<vmem>> -> memref<120x1024xf32, #tpu.memory_space<vmem>>
    tpu.wait_dma2 semaphore(%arg10 : memref<!tpu.dma_semaphore, #tpu.memory_space<semaphore_mem>>) src(%dma_wait3A_640 : memref<120x1024xf32, #tpu.memory_space<vmem>>) dst(%dma_wait3A_637 : memref<120x1024xf32, #tpu.memory_space<hbm>>)
    %dma_start3A_641 = arith.constant 0 : i32
    %dma_start3A_642 = arith.constant 0 : i32
    %dma_start3A_643 = tpu.memref_slice %arg8[%dma_start3A_641, %dma_start3A_642] : memref<120x1024xf32, #tpu.memory_space<vmem>> -> memref<8x1024xf32, #tpu.memory_space<vmem>>
    %dma_start3A_644 = arith.constant 120 : i32
    %dma_start3A_645 = tpu.memref_slice %arg7[%dma_start3A_644] : memref<128xi32, #tpu.memory_space<vmem>> -> memref<8xi32, #tpu.memory_space<vmem>>
    %dma_start3A_646 = arith.constant 0 : i32
    %dma_start3A_647 = arith.constant 0 : i32
    %dma_start3A_648 = tpu.memref_slice %arg5[%dma_start3A_646, %dma_start3A_647] : memref<100000x1024xf32, #tpu.memory_space<hbm>> -> memref<100000x1024xf32, #tpu.memory_space<hbm>>
    tpu.enqueue_indirect_dma source(%dma_start3A_648 : memref<100000x1024xf32, #tpu.memory_space<hbm>>) target(%dma_start3A_643 : memref<8x1024xf32, #tpu.memory_space<vmem>>) offsets(%dma_start3A_645 : memref<8xi32, #tpu.memory_space<vmem>>) semaphore(%arg9 : memref<!tpu.dma_semaphore, #tpu.memory_space<semaphore_mem>>)
    %dma_wait3A_649 = arith.constant 0 : i32
    %dma_wait3A_650 = arith.constant 0 : i32
    %dma_wait3A_651 = tpu.memref_slice %arg8[%dma_wait3A_649, %dma_wait3A_650] : memref<120x1024xf32, #tpu.memory_space<vmem>> -> memref<8x1024xf32, #tpu.memory_space<vmem>>
    %dma_wait3A_652 = arith.constant 120 : i32
    %dma_wait3A_653 = tpu.memref_slice %arg7[%dma_wait3A_652] : memref<128xi32, #tpu.memory_space<vmem>> -> memref<8xi32, #tpu.memory_space<vmem>>
    %dma_wait3A_654 = arith.constant 0 : i32
    %dma_wait3A_655 = arith.constant 0 : i32
    %dma_wait3A_656 = tpu.memref_slice %arg5[%dma_wait3A_654, %dma_wait3A_655] : memref<100000x1024xf32, #tpu.memory_space<hbm>> -> memref<100000x1024xf32, #tpu.memory_space<hbm>>
    tpu.wait_indirect_dma semaphore(%arg9 : memref<!tpu.dma_semaphore, #tpu.memory_space<semaphore_mem>>) src(%dma_wait3A_656 : memref<100000x1024xf32, #tpu.memory_space<hbm>>) dst(%dma_wait3A_651 : memref<8x1024xf32, #tpu.memory_space<vmem>>)
    %add3A_657 = arith.constant 120 : i32
    %add3A_658 = arith.addi %mul3A_2, %add3A_657 : i32
    %dma_start3A_659 = arith.constant 2 : i32
    %dma_start3A_660 = arith.constant 0 : i32
    %dma_start3A_661 = arith.constant 0 : i32
    %dma_start3A_662 = tpu.memref_slice %arg8[%dma_start3A_660, %dma_start3A_661] : memref<120x1024xf32, #tpu.memory_space<vmem>> -> memref<8x1024xf32, #tpu.memory_space<vmem>>
    %dma_start3A_663 = arith.constant 0 : i32
    %dma_start3A_664 = tpu.memref_slice %arg6[%dma_start3A_659, %add3A_658, %dma_start3A_663] : memref<12x4096x1024xf32, #tpu.memory_space<hbm>> -> memref<1x8x1024xf32, #tpu.memory_space<hbm>>
    %dma_start3A_665 = tpu.memref_squeeze %dma_start3A_664 : memref<1x8x1024xf32, #tpu.memory_space<hbm>> -> memref<8x1024xf32, #tpu.memory_space<hbm>>
    %dma_start3A_666 = arith.constant 0 : i32
    %dma_start3A_667 = tpu.memref_slice %arg6[%dma_start3A_659, %add3A_658, %dma_start3A_666] : memref<12x4096x1024xf32, #tpu.memory_space<hbm>> -> memref<1x8x1024xf32, #tpu.memory_space<hbm>>
    %dma_start3A_668 = tpu.memref_squeeze %dma_start3A_667 : memref<1x8x1024xf32, #tpu.memory_space<hbm>> -> memref<8x1024xf32, #tpu.memory_space<hbm>>
    %dma_start3A_669 = arith.constant 0 : i32
    %dma_start3A_670 = arith.constant 0 : i32
    %dma_start3A_671 = tpu.memref_slice %arg8[%dma_start3A_669, %dma_start3A_670] : memref<120x1024xf32, #tpu.memory_space<vmem>> -> memref<8x1024xf32, #tpu.memory_space<vmem>>
    tpu.enqueue_dma source(%dma_start3A_671 : memref<8x1024xf32, #tpu.memory_space<vmem>>) target(%dma_start3A_668 : memref<8x1024xf32, #tpu.memory_space<hbm>>) target_semaphore(%arg10 : memref<!tpu.dma_semaphore, #tpu.memory_space<semaphore_mem>>)
    %add3A_672 = arith.constant 120 : i32
    %add3A_673 = arith.addi %mul3A_2, %add3A_672 : i32
    %dma_start3A_674 = arith.constant 5 : i32
    %dma_start3A_675 = arith.constant 0 : i32
    %dma_start3A_676 = arith.constant 0 : i32
    %dma_start3A_677 = tpu.memref_slice %arg8[%dma_start3A_675, %dma_start3A_676] : memref<120x1024xf32, #tpu.memory_space<vmem>> -> memref<8x1024xf32, #tpu.memory_space<vmem>>
    %dma_start3A_678 = arith.constant 0 : i32
    %dma_start3A_679 = tpu.memref_slice %arg6[%dma_start3A_674, %add3A_673, %dma_start3A_678] : memref<12x4096x1024xf32, #tpu.memory_space<hbm>> -> memref<1x8x1024xf32, #tpu.memory_space<hbm>>
    %dma_start3A_680 = tpu.memref_squeeze %dma_start3A_679 : memref<1x8x1024xf32, #tpu.memory_space<hbm>> -> memref<8x1024xf32, #tpu.memory_space<hbm>>
    %dma_start3A_681 = arith.constant 0 : i32
    %dma_start3A_682 = tpu.memref_slice %arg6[%dma_start3A_674, %add3A_673, %dma_start3A_681] : memref<12x4096x1024xf32, #tpu.memory_space<hbm>> -> memref<1x8x1024xf32, #tpu.memory_space<hbm>>
    %dma_start3A_683 = tpu.memref_squeeze %dma_start3A_682 : memref<1x8x1024xf32, #tpu.memory_space<hbm>> -> memref<8x1024xf32, #tpu.memory_space<hbm>>
    %dma_start3A_684 = arith.constant 0 : i32
    %dma_start3A_685 = arith.constant 0 : i32
    %dma_start3A_686 = tpu.memref_slice %arg8[%dma_start3A_684, %dma_start3A_685] : memref<120x1024xf32, #tpu.memory_space<vmem>> -> memref<8x1024xf32, #tpu.memory_space<vmem>>
    tpu.enqueue_dma source(%dma_start3A_686 : memref<8x1024xf32, #tpu.memory_space<vmem>>) target(%dma_start3A_683 : memref<8x1024xf32, #tpu.memory_space<hbm>>) target_semaphore(%arg10 : memref<!tpu.dma_semaphore, #tpu.memory_space<semaphore_mem>>)
    %add3A_687 = arith.constant 120 : i32
    %add3A_688 = arith.addi %mul3A_2, %add3A_687 : i32
    %dma_start3A_689 = arith.constant 8 : i32
    %dma_start3A_690 = arith.constant 0 : i32
    %dma_start3A_691 = arith.constant 0 : i32
    %dma_start3A_692 = tpu.memref_slice %arg8[%dma_start3A_690, %dma_start3A_691] : memref<120x1024xf32, #tpu.memory_space<vmem>> -> memref<8x1024xf32, #tpu.memory_space<vmem>>
    %dma_start3A_693 = arith.constant 0 : i32
    %dma_start3A_694 = tpu.memref_slice %arg6[%dma_start3A_689, %add3A_688, %dma_start3A_693] : memref<12x4096x1024xf32, #tpu.memory_space<hbm>> -> memref<1x8x1024xf32, #tpu.memory_space<hbm>>
    %dma_start3A_695 = tpu.memref_squeeze %dma_start3A_694 : memref<1x8x1024xf32, #tpu.memory_space<hbm>> -> memref<8x1024xf32, #tpu.memory_space<hbm>>
    %dma_start3A_696 = arith.constant 0 : i32
    %dma_start3A_697 = tpu.memref_slice %arg6[%dma_start3A_689, %add3A_688, %dma_start3A_696] : memref<12x4096x1024xf32, #tpu.memory_space<hbm>> -> memref<1x8x1024xf32, #tpu.memory_space<hbm>>
    %dma_start3A_698 = tpu.memref_squeeze %dma_start3A_697 : memref<1x8x1024xf32, #tpu.memory_space<hbm>> -> memref<8x1024xf32, #tpu.memory_space<hbm>>
    %dma_start3A_699 = arith.constant 0 : i32
    %dma_start3A_700 = arith.constant 0 : i32
    %dma_start3A_701 = tpu.memref_slice %arg8[%dma_start3A_699, %dma_start3A_700] : memref<120x1024xf32, #tpu.memory_space<vmem>> -> memref<8x1024xf32, #tpu.memory_space<vmem>>
    tpu.enqueue_dma source(%dma_start3A_701 : memref<8x1024xf32, #tpu.memory_space<vmem>>) target(%dma_start3A_698 : memref<8x1024xf32, #tpu.memory_space<hbm>>) target_semaphore(%arg10 : memref<!tpu.dma_semaphore, #tpu.memory_space<semaphore_mem>>)
    %add3A_702 = arith.constant 120 : i32
    %add3A_703 = arith.addi %mul3A_2, %add3A_702 : i32
    %dma_start3A_704 = arith.constant 11 : i32
    %dma_start3A_705 = arith.constant 0 : i32
    %dma_start3A_706 = arith.constant 0 : i32
    %dma_start3A_707 = tpu.memref_slice %arg8[%dma_start3A_705, %dma_start3A_706] : memref<120x1024xf32, #tpu.memory_space<vmem>> -> memref<8x1024xf32, #tpu.memory_space<vmem>>
    %dma_start3A_708 = arith.constant 0 : i32
    %dma_start3A_709 = tpu.memref_slice %arg6[%dma_start3A_704, %add3A_703, %dma_start3A_708] : memref<12x4096x1024xf32, #tpu.memory_space<hbm>> -> memref<1x8x1024xf32, #tpu.memory_space<hbm>>
    %dma_start3A_710 = tpu.memref_squeeze %dma_start3A_709 : memref<1x8x1024xf32, #tpu.memory_space<hbm>> -> memref<8x1024xf32, #tpu.memory_space<hbm>>
    %dma_start3A_711 = arith.constant 0 : i32
    %dma_start3A_712 = tpu.memref_slice %arg6[%dma_start3A_704, %add3A_703, %dma_start3A_711] : memref<12x4096x1024xf32, #tpu.memory_space<hbm>> -> memref<1x8x1024xf32, #tpu.memory_space<hbm>>
    %dma_start3A_713 = tpu.memref_squeeze %dma_start3A_712 : memref<1x8x1024xf32, #tpu.memory_space<hbm>> -> memref<8x1024xf32, #tpu.memory_space<hbm>>
    %dma_start3A_714 = arith.constant 0 : i32
    %dma_start3A_715 = arith.constant 0 : i32
    %dma_start3A_716 = tpu.memref_slice %arg8[%dma_start3A_714, %dma_start3A_715] : memref<120x1024xf32, #tpu.memory_space<vmem>> -> memref<8x1024xf32, #tpu.memory_space<vmem>>
    tpu.enqueue_dma source(%dma_start3A_716 : memref<8x1024xf32, #tpu.memory_space<vmem>>) target(%dma_start3A_713 : memref<8x1024xf32, #tpu.memory_space<hbm>>) target_semaphore(%arg10 : memref<!tpu.dma_semaphore, #tpu.memory_space<semaphore_mem>>)
    %dma_wait3A_717 = arith.constant 2 : i32
    %dma_wait3A_718 = arith.constant 0 : i32
    %dma_wait3A_719 = arith.constant 0 : i32
    %dma_wait3A_720 = tpu.memref_slice %arg8[%dma_wait3A_718, %dma_wait3A_719] : memref<120x1024xf32, #tpu.memory_space<vmem>> -> memref<8x1024xf32, #tpu.memory_space<vmem>>
    %dma_wait3A_721 = arith.constant 0 : i32
    %dma_wait3A_722 = tpu.memref_slice %arg6[%dma_wait3A_717, %add3A_658, %dma_wait3A_721] : memref<12x4096x1024xf32, #tpu.memory_space<hbm>> -> memref<1x8x1024xf32, #tpu.memory_space<hbm>>
    %dma_wait3A_723 = tpu.memref_squeeze %dma_wait3A_722 : memref<1x8x1024xf32, #tpu.memory_space<hbm>> -> memref<8x1024xf32, #tpu.memory_space<hbm>>
    %dma_wait3A_724 = arith.constant 0 : i32
    %dma_wait3A_725 = tpu.memref_slice %arg6[%dma_wait3A_717, %add3A_658, %dma_wait3A_724] : memref<12x4096x1024xf32, #tpu.memory_space<hbm>> -> memref<1x8x1024xf32, #tpu.memory_space<hbm>>
    %dma_wait3A_726 = tpu.memref_squeeze %dma_wait3A_725 : memref<1x8x1024xf32, #tpu.memory_space<hbm>> -> memref<8x1024xf32, #tpu.memory_space<hbm>>
    %dma_wait3A_727 = arith.constant 0 : i32
    %dma_wait3A_728 = arith.constant 0 : i32
    %dma_wait3A_729 = tpu.memref_slice %arg8[%dma_wait3A_727, %dma_wait3A_728] : memref<120x1024xf32, #tpu.memory_space<vmem>> -> memref<8x1024xf32, #tpu.memory_space<vmem>>
    tpu.wait_dma2 semaphore(%arg10 : memref<!tpu.dma_semaphore, #tpu.memory_space<semaphore_mem>>) src(%dma_wait3A_729 : memref<8x1024xf32, #tpu.memory_space<vmem>>) dst(%dma_wait3A_726 : memref<8x1024xf32, #tpu.memory_space<hbm>>)
    %dma_wait3A_730 = arith.constant 5 : i32
    %dma_wait3A_731 = arith.constant 0 : i32
    %dma_wait3A_732 = arith.constant 0 : i32
    %dma_wait3A_733 = tpu.memref_slice %arg8[%dma_wait3A_731, %dma_wait3A_732] : memref<120x1024xf32, #tpu.memory_space<vmem>> -> memref<8x1024xf32, #tpu.memory_space<vmem>>
    %dma_wait3A_734 = arith.constant 0 : i32
    %dma_wait3A_735 = tpu.memref_slice %arg6[%dma_wait3A_730, %add3A_673, %dma_wait3A_734] : memref<12x4096x1024xf32, #tpu.memory_space<hbm>> -> memref<1x8x1024xf32, #tpu.memory_space<hbm>>
    %dma_wait3A_736 = tpu.memref_squeeze %dma_wait3A_735 : memref<1x8x1024xf32, #tpu.memory_space<hbm>> -> memref<8x1024xf32, #tpu.memory_space<hbm>>
    %dma_wait3A_737 = arith.constant 0 : i32
    %dma_wait3A_738 = tpu.memref_slice %arg6[%dma_wait3A_730, %add3A_673, %dma_wait3A_737] : memref<12x4096x1024xf32, #tpu.memory_space<hbm>> -> memref<1x8x1024xf32, #tpu.memory_space<hbm>>
    %dma_wait3A_739 = tpu.memref_squeeze %dma_wait3A_738 : memref<1x8x1024xf32, #tpu.memory_space<hbm>> -> memref<8x1024xf32, #tpu.memory_space<hbm>>
    %dma_wait3A_740 = arith.constant 0 : i32
    %dma_wait3A_741 = arith.constant 0 : i32
    %dma_wait3A_742 = tpu.memref_slice %arg8[%dma_wait3A_740, %dma_wait3A_741] : memref<120x1024xf32, #tpu.memory_space<vmem>> -> memref<8x1024xf32, #tpu.memory_space<vmem>>
    tpu.wait_dma2 semaphore(%arg10 : memref<!tpu.dma_semaphore, #tpu.memory_space<semaphore_mem>>) src(%dma_wait3A_742 : memref<8x1024xf32, #tpu.memory_space<vmem>>) dst(%dma_wait3A_739 : memref<8x1024xf32, #tpu.memory_space<hbm>>)
    %dma_wait3A_743 = arith.constant 8 : i32
    %dma_wait3A_744 = arith.constant 0 : i32
    %dma_wait3A_745 = arith.constant 0 : i32
    %dma_wait3A_746 = tpu.memref_slice %arg8[%dma_wait3A_744, %dma_wait3A_745] : memref<120x1024xf32, #tpu.memory_space<vmem>> -> memref<8x1024xf32, #tpu.memory_space<vmem>>
    %dma_wait3A_747 = arith.constant 0 : i32
    %dma_wait3A_748 = tpu.memref_slice %arg6[%dma_wait3A_743, %add3A_688, %dma_wait3A_747] : memref<12x4096x1024xf32, #tpu.memory_space<hbm>> -> memref<1x8x1024xf32, #tpu.memory_space<hbm>>
    %dma_wait3A_749 = tpu.memref_squeeze %dma_wait3A_748 : memref<1x8x1024xf32, #tpu.memory_space<hbm>> -> memref<8x1024xf32, #tpu.memory_space<hbm>>
    %dma_wait3A_750 = arith.constant 0 : i32
    %dma_wait3A_751 = tpu.memref_slice %arg6[%dma_wait3A_743, %add3A_688, %dma_wait3A_750] : memref<12x4096x1024xf32, #tpu.memory_space<hbm>> -> memref<1x8x1024xf32, #tpu.memory_space<hbm>>
    %dma_wait3A_752 = tpu.memref_squeeze %dma_wait3A_751 : memref<1x8x1024xf32, #tpu.memory_space<hbm>> -> memref<8x1024xf32, #tpu.memory_space<hbm>>
    %dma_wait3A_753 = arith.constant 0 : i32
    %dma_wait3A_754 = arith.constant 0 : i32
    %dma_wait3A_755 = tpu.memref_slice %arg8[%dma_wait3A_753, %dma_wait3A_754] : memref<120x1024xf32, #tpu.memory_space<vmem>> -> memref<8x1024xf32, #tpu.memory_space<vmem>>
    tpu.wait_dma2 semaphore(%arg10 : memref<!tpu.dma_semaphore, #tpu.memory_space<semaphore_mem>>) src(%dma_wait3A_755 : memref<8x1024xf32, #tpu.memory_space<vmem>>) dst(%dma_wait3A_752 : memref<8x1024xf32, #tpu.memory_space<hbm>>)
    %dma_wait3A_756 = arith.constant 11 : i32
    %dma_wait3A_757 = arith.constant 0 : i32
    %dma_wait3A_758 = arith.constant 0 : i32
    %dma_wait3A_759 = tpu.memref_slice %arg8[%dma_wait3A_757, %dma_wait3A_758] : memref<120x1024xf32, #tpu.memory_space<vmem>> -> memref<8x1024xf32, #tpu.memory_space<vmem>>
    %dma_wait3A_760 = arith.constant 0 : i32
    %dma_wait3A_761 = tpu.memref_slice %arg6[%dma_wait3A_756, %add3A_703, %dma_wait3A_760] : memref<12x4096x1024xf32, #tpu.memory_space<hbm>> -> memref<1x8x1024xf32, #tpu.memory_space<hbm>>
    %dma_wait3A_762 = tpu.memref_squeeze %dma_wait3A_761 : memref<1x8x1024xf32, #tpu.memory_space<hbm>> -> memref<8x1024xf32, #tpu.memory_space<hbm>>
    %dma_wait3A_763 = arith.constant 0 : i32
    %dma_wait3A_764 = tpu.memref_slice %arg6[%dma_wait3A_756, %add3A_703, %dma_wait3A_763] : memref<12x4096x1024xf32, #tpu.memory_space<hbm>> -> memref<1x8x1024xf32, #tpu.memory_space<hbm>>
    %dma_wait3A_765 = tpu.memref_squeeze %dma_wait3A_764 : memref<1x8x1024xf32, #tpu.memory_space<hbm>> -> memref<8x1024xf32, #tpu.memory_space<hbm>>
    %dma_wait3A_766 = arith.constant 0 : i32
    %dma_wait3A_767 = arith.constant 0 : i32
    %dma_wait3A_768 = tpu.memref_slice %arg8[%dma_wait3A_766, %dma_wait3A_767] : memref<120x1024xf32, #tpu.memory_space<vmem>> -> memref<8x1024xf32, #tpu.memory_space<vmem>>
    tpu.wait_dma2 semaphore(%arg10 : memref<!tpu.dma_semaphore, #tpu.memory_space<semaphore_mem>>) src(%dma_wait3A_768 : memref<8x1024xf32, #tpu.memory_space<vmem>>) dst(%dma_wait3A_765 : memref<8x1024xf32, #tpu.memory_space<hbm>>)
    return
  }
}

</mosaic_0001>

<sc_bundles>
// kernel: kernel.3.cloned.1.call-start
scs
__scs_entry_jumppad:
0x0: {  	(pc) =	sbr.rel $0x88, $3  }
0x1: {  	(tag) =	ssettag $0x0;
	lr =	simm.s32 $0x1  }
0x2: {  	[smem:$0x3F9D] =	sst lr;
	_ =	strace $0xD0000000  }
0x3: {  	_ = 	snop  }
0x4: {  	_ = 	snop  }
0x5: {  	_ = 	snop  }
0x6: {  	_ = 	snop  }
0x7: {  	_ = 	snop  }
__scs_overlays_trampoline_lowered:
0x8: {  	[smem:$0x3FAC] =	sst s0  }
0x9: {  	[smem:$0x3FAD] =	sst s1  }
0xa: {  	[smem:$0x3FAE] =	sst s2  }
0xb: {  	[smem:$0x3FAF] =	sst s3  }
0xc: {  	[smem:$0x3FB0] =	sst s4  }
0xd: {  	[smem:$0x3FB1] =	sst s5  }
0xe: {  	[smem:$0x3FB2] =	sst s6  }
0xf: {  	[smem:$0x3FB3] =	sst s7  }
0x10: {  	[smem:$0x3FB4] =	sst s8  }
0x11: {  	[smem:$0x3FB5] =	sst s9;
	s0 =	simm.s32 @!p0 $0x0  }
0x12: {  	s1 =	sld [smem:$0x3F9B];
	s0 =	simm.s32 @p0 $0x1  }
0x13: {  	[smem:$0x3FB6] =	sst s0;
	s0 =	simm.s32 @!p1 $0x0  }
0x14: {  	s2 =	sld [smem:$0x3F9A];
	s0 =	simm.s32 @p1 $0x1  }
0x15: {  	[smem:$0x3FB7] =	sst s0;
	s0 =	simm.s32 @!p2 $0x0  }
0x16: {  	s3 =	sld [smem:$0x3FDB];
	s0 =	simm.s32 @p2 $0x1  }
0x17: {  	s4 =	simm.s32 $0x1BF5;
	[smem:$0x3FB9] =	sst s0  }
0x18: {  	s0 =	sld [smem:$0x3F9C];
	_ =	swait.ge [sflag:s4], $0x0  }
0x19: {  	s7 =	sld [smem:$0x3F9D]  }
0x1a: {  	s8 =	sadd.s32 $0xFFFFE003, lr  }
0x1b: {  	s9 =	sadd.s32 $0xFFFFFEF7, lr;
	s5 =	simm.s32 $0xFFFFFFFF;
	p2 =	slt.u32 s8, $0xFFFFF086  }
0x1c: {  	p1 =	slt.u32 s9, $0xF7A;
	s5 =	simm.s32 @!p2 $0x0  }
0x1d: {  	s5 =	simm.s32 @p1 $0x1;
	p0 =	seq.s32 s7, s2  }
0x1e: {  	s7 =	smul.u32 @!p0 $0xF7A, s2;
	p2 =	seq.s32 @!p0 s5, $0x0  }
0x1f: {  	s9 =	smul.u32 $0xF7A, s1;
	s8 =	simm.s32 @!p0 $0x1BF5;
	p2 =	por !p2, p0  }
0x20: {  	[sflag:s8] =	ssyncset.s32 @!p0 $0xFFFFF086;
	s6 =	sadd.s32 @!p0 s3, s7;
	s7 =	simm.s32 @!p0 $0x108  }
0x21: {  	s3 =	sadd.s32 s3, s9;
	s6 =	sadd.s32 @!p0 $0x88, s6;
	s7 =	simm.s32 @p2 $0x1082  }
0x22: {  	[simem:s7], [sflag:s8] =	dma.local @!p0 [hbm:s6], $0xF7A  }
0x23: {  	s9 =	sor.u32 $0xD0000000, s2;
	s6 =	simm.s32 $0x108;
	_ =	swait.ge @!p0 [sflag:s8], $0x0  }
0x24: {  	s3 =	sadd.s32 $0x88, s3;
	s6 =	simm.s32 @!p1 $0x1082;
	[sflag:s4] =	ssyncset.s32 $0xFFFFF086  }
0x25: {  	[simem:s6], [sflag:s4] =	dma.local [hbm:s3], $0xF7A  }
0x26: {  	[smem:$0x3F9D] =	sst s1;
	(tag) =	ssettag s2;
	_ =	strace s9  }
0x27: {  	s1 =	sld [smem:$0x3FAD]  }
0x28: {  	s2 =	sld [smem:$0x3FAE]  }
0x29: {  	s4 =	sld [smem:$0x3FB0]  }
0x2a: {  	p0 =	seq.s32 s5, $0x0;
	s5 =	sld [smem:$0x3FB1]  }
0x2b: {  	s6 =	sld [smem:$0x3FB2]  }
0x2c: {  	s7 =	sld [smem:$0x3FB3]  }
0x2d: {  	s3 =	simm.s32 $0x108;
	s8 =	sld [smem:$0x3FB4]  }
0x2e: {  	s3 =	simm.s32 @!p0 $0x1082;
	s9 =	sld [smem:$0x3FB5]  }
0x2f: {  	lr =	sadd.s32 s0, s3;
	s0 =	sld [smem:$0x3FAC]  }
0x30: {  	s3 =	sld [smem:$0x3FAF]  }
0x31: {  	[smem:$0x3FB8] =	sst s10  }
0x32: {  	s10 =	sld [smem:$0x3FB6];
	_ =	sdelay $0x3  }
0x33: {  	p0 =	seq.s32 s10, $0x1;
	s10 =	sld [smem:$0x3FB8];
	_ =	sdelay $0x3  }
0x34: {  	[smem:$0x3FB8] =	sst s10  }
0x35: {  	s10 =	sld [smem:$0x3FB7];
	_ =	sdelay $0x3  }
0x36: {  	p1 =	seq.s32 s10, $0x1;
	s10 =	sld [smem:$0x3FB8];
	_ =	sdelay $0x3  }
0x37: {  	[smem:$0x3FB8] =	sst s10  }
0x38: {  	s10 =	sld [smem:$0x3FB9]  }
0x39: {  	_ = 	snop;
	(pc) =	sbr.ind lr, $3  }
0x3a: {  	_ = 	snop  }
0x3b: {  	_ = 	snop  }
0x3c: {  	p2 =	seq.s32 s10, $0x1;
	s10 =	sld [smem:$0x3FB8]  }
0x3d: {  	_ =	shalt  }
0x3e: {  	_ =	shalt  }
0x3f: {  	_ =	shalt  }
0x40: {  	_ =	shalt  }
0x41: {  	_ =	shalt  }
0x42: {  	_ =	shalt  }
0x43: {  	_ =	shalt  }
0x44: {  	_ =	shalt  }
0x45: {  	_ =	shalt  }
0x46: {  	_ =	shalt  }
0x47: {  	_ =	shalt  }
0x48: {  	_ =	shalt  }
0x49: {  	_ =	shalt  }
0x4a: {  	_ =	shalt  }
0x4b: {  	_ =	shalt  }
0x4c: {  	_ =	shalt  }
0x4d: {  	_ =	shalt  }
0x4e: {  	_ =	shalt  }
0x4f: {  	_ =	shalt  }
0x50: {  	_ =	shalt  }
0x51: {  	_ =	shalt  }
0x52: {  	_ =	shalt  }
0x53: {  	_ =	shalt  }
0x54: {  	_ =	shalt  }
0x55: {  	_ =	shalt  }
0x56: {  	_ =	shalt  }
0x57: {  	_ =	shalt  }
0x58: {  	_ =	shalt  }
0x59: {  	_ =	shalt  }
0x5a: {  	_ =	shalt  }
0x5b: {  	_ =	shalt  }
0x5c: {  	_ =	shalt  }
0x5d: {  	_ =	shalt  }
0x5e: {  	_ =	shalt  }
0x5f: {  	_ =	shalt  }
0x60: {  	_ =	shalt  }
0x61: {  	_ =	shalt  }
0x62: {  	_ =	shalt  }
0x63: {  	_ =	shalt  }
0x64: {  	_ =	shalt  }
0x65: {  	_ =	shalt  }
0x66: {  	_ =	shalt  }
0x67: {  	_ =	shalt  }
0x68: {  	_ =	shalt  }
0x69: {  	_ =	shalt  }
0x6a: {  	_ =	shalt  }
0x6b: {  	_ =	shalt  }
0x6c: {  	_ =	shalt  }
0x6d: {  	_ =	shalt  }
0x6e: {  	_ =	shalt  }
0x6f: {  	_ =	shalt  }
0x70: {  	_ =	shalt  }
0x71: {  	_ =	shalt  }
0x72: {  	_ =	shalt  }
0x73: {  	_ =	shalt  }
0x74: {  	_ =	shalt  }
0x75: {  	_ =	shalt  }
0x76: {  	_ =	shalt  }
0x77: {  	_ =	shalt  }
0x78: {  	_ =	shalt  }
0x79: {  	_ =	shalt  }
0x7a: {  	_ =	shalt  }
0x7b: {  	_ =	shalt  }
0x7c: {  	_ =	shalt  }
0x7d: {  	_ =	shalt  }
0x7e: {  	_ =	shalt  }
0x7f: {  	_ =	shalt  }
0x80: {  	_ =	shalt  }
0x81: {  	_ =	shalt  }
0x82: {  	_ =	shalt  }
0x83: {  	_ =	shalt  }
0x84: {  	_ =	shalt  }
0x85: {  	_ =	shalt  }
0x86: {  	_ =	shalt  }
0x87: {  	_ =	shalt  }
.Lfunc_end0:
.L_simem_size_0:
called_computation_lowered:
.L_overlay_start_0:
0x88: {  	s2 =	sld [smem:$0x3FD9]  }
0x89: {  	s3 =	sld [smem:$0x3FFE];
	_ =	sdelay $0x1  }
0x8a: {  	s1 =	srdreg.scid  }
0x8b: {  	s0 =	sand.u32 $0x1, s1  }
0x8c: {  	s17 =	sshll.u32 s0, $0xA;
	s2 =	sadd.s32 s3, s2  }
0x8d: {  	s2 =	sadd.s32 s2, s17  }
0x8e: {  	[smem:$0x3FC4] =	sst s2  }
0x8f: {  	_ = 	snop  }
0x90: {  	s2 =	sld [smem:$0x3FC8]  }
0x91: {  	s18 =	sld [smem:$0x3FC7]  }
0x92: {  	s4 =	sld [smem:$0x3FC6]  }
0x93: {  	s5 =	sld [smem:$0x3FD0];
	(tm) =	ssettm $0x1  }
0x94: {  	s6 =	sld [smem:$0x3FFB];
	_ =	sdelay $0x3  }
0x95: {  	_ =	strace s6  }
0x96: {  	s6 =	sld [smem:$0x3FFC];
	_ =	sdelay $0x3  }
0x97: {  	_ =	strace s6  }
0x98: {  	s6 =	sld [smem:$0x3FFD];
	_ =	sdelay $0x3  }
0x99: {  	_ =	strace s6  }
0x9a: {  	_ =	strace $0x8FFFFFFF  }
0x9b: {  	s19 =	sld [smem:$0x3FDB];
	_ =	sdelay $0x1  }
0x9c: {  	s7 =	simm.s32 $_scs_section_size  }
0x9d: {  	s8 =	simm.s32 $_size__tile_overlayer_lowered;
	s9 =	simm.s32 $_tile_overlayer_lowered  }
0x9e: {  	s22 =	simm.s32 $0x1BFF;
	s21 =	sshll.u32 s9, $0x1;
	s6 =	sadd.s32 s7, s19  }
0x9f: {  	s10 =	simm.s32 $0x0;
	s20 =	sshll.u32 s8, $0x1;
	s8 =	sadd.s32 s21, s6  }
0xa0: {  	[timem:s10], [sflag:s22] =	dma.local [hbm:s8], s20  }
0xa1: {  	_ =	swait.ge [sflag:s22], s20  }
0xa2: {  	s7 =	ssub.s32 $0x0, s20;
	[sflag:s22] =	ssyncset.done $0x0  }
0xa3: {  	[sflag:s22] =	ssyncadd.s32 s7;
	_ =	sdelay $0x1  }
0xa4: {  	s23 =	simm.s32 $0x1B8B  }
0xa5: {  	_ =	swait.ge [sflag:s23], $0x1  }
0xa6: {  	[sflag:s23] =	ssyncset.done $0x0  }
0xa7: {  	s25 =	simm.s32 $0x1B8E;
	s24 =	sld [smem:$0x3FFE];
	[sflag:s23] =	ssyncadd.s32 $0xFFFFFFFF  }
0xa8: {  	s26 =	simm.s32 $execute0_lowered;
	[smem:$0x3FD2] =	sst s25  }
0xa9: {  	s8 =	sshll.u32 s26, $0x1;
	_ =	strace $0x80000046;
	[dreg:$0x1] =	wrdreg $0xFFFFFFFF  }
0xaa: {  	s28 =	simm.s32 $_size_execute0_lowered;
	s6 =	sadd.s32 s6, s8;
	[dreg:$0x0] =	wrdreg $0x0  }
0xab: {  	s8 =	sshll.u32 s28, $0x1;
	[dreg:$0x2] =	wrdreg s6  }
0xac: {  	[dreg:$0x3] =	wrdreg s8  }
0xad: {  	[dreg:$0x4] =	wrdreg $0xC0  }
0xae: {  	_ =	task [dreg:s10], $0x5FFFF  }
0xaf: {  	[dreg:$0x1] =	wrdreg $0xFFFFFFFF  }
0xb0: {  	[dreg:$0x0] =	wrdreg $0x60  }
0xb1: {  	[dreg:$0x2] =	wrdreg s24  }
0xb2: {  	[dreg:$0x3] =	wrdreg s2  }
0xb3: {  	[dreg:$0x4] =	wrdreg s18  }
0xb4: {  	[dreg:$0x5] =	wrdreg s4  }
0xb5: {  	[dreg:$0x6] =	wrdreg s5  }
0xb6: {  	[dreg:$0x7] =	wrdreg $0x9  }
0xb7: {  	_ =	task.clear_ibuf [dreg:s10], $0x8FFFF;
	_ =	strace $0x90000046  }
0xb8: {  	s29 =	simm.s32 $0x9;
	_ =	strace $0x80000048  }
0xb9: {  	_ =	swait.ge [sflag:s29], $0x1  }
0xba: {  	[sflag:s29] =	ssyncadd.s32 $0xFFFFFFFF  }
0xbb: {  	_ =	strace $0x90000048  }
0xbc: {  	_ =	sfence  }
0xbd: {  	s30 =	sld [smem:$0x0];
	_ =	sdelay $0x2  }
0xbe: {  	s31 =	sshll.u32 s1, $0xD;
	s1 =	sshrl.u32 s1, $0x2  }
0xbf: {  	s3 =	sand.u32 $0x4000, s31;
	s1 =	sadd.s32 s1, s30  }
0xc0: {  	s0 =	sor.u32 s3, s0;
	s1 =	sshll.u32 s1, $0x11  }
0xc1: {  	s0 =	sor.u32 s1, s0  }
0xc2: {  	s0 =	sadd.s32 $0x8F2B, s0  }
0xc3: {  	[sflag:s0] =	ssyncadd.remote.s32 $0x1  }
0xc4: {  	_ =	sfence.sel $0xFFFF  }
0xc5: {  	[dreg:$0x0] =	wrdreg $0xFFFFFFFF;
	(pc) =	sbr.abs _section_cstart, $3  }
0xc6: {  	[dreg:$0x1] =	wrdreg $0xFFFFFFFF  }
0xc7: {  	_ =	task.clear_ibuf [dreg:s10], $0x2FFFF;
	_ =	strace $0x9FFFFFFF  }
0xc8: {  	(tm) =	ssettm $0x7FFFFFFF  }
0xc9: {  	_ =	shalt  }
tec
execute0_lowered:
.L_overlay_start_1:
0x0: {  	(tag) =	ssettag $0x1  }
0x1: {  	s0 =	rddreg [dreg:$0x0]  }
0x2: {  	s1 =	rddreg [dreg:$0x1];
	s3 =	srdreg.scid  }
0x3: {  	s2 =	rddreg [dreg:$0x2];
	s5 =	stileid.u32;
	s3 =	sand.u32 $0x1, s3  }
0x4: {  	s4 =	rddreg [dreg:$0x3];
	s5 =	sshll.u32 s5, $0x8;
	s6 =	sshll.u32 s3, $0x7  }
0x5: {  	s7 =	rddreg [dreg:$0x4];
	s6 =	sor.u32 s6, s5  }
0x6: {  	s5 =	simm.s32 $0x0;
	s8 =	sshrl.u32 s6, $0x3;
	s6 =	sshll.u32 s6, $0x7  }
0x7: {  	[smem:$0x7FF] =	sst s5;
	s0 =	sadd.s32 s8, s0;
	s15 =	sadd.s32 s7, s6  }
0x8: {  	_ =	strace $0x80000047;
	s0 =	sadd.s32 $0x400, s0;
	[dreg:$0x1e] =	wrdreg s15  }
0x9: {  	s25 =	sadd.s32 $0x180000, s15;
	[dreg:$0x6] =	wrdreg s0  }
0xa: {  	s26 =	sadd.s32 $0x300000, s15;
	[dreg:$0x7] =	wrdreg s25  }
0xb: {  	s31 =	sadd.s32 $0x480000, s15;
	[dreg:$0x8] =	wrdreg s26  }
0xc: {  	s6 =	sadd.s32 $0x3C00, s15;
	[dreg:$0x9] =	wrdreg s31  }
0xd: {  	s7 =	sadd.s32 $0x183C00, s15;
	[dreg:$0xa] =	wrdreg s6  }
0xe: {  	s8 =	sadd.s32 $0x303C00, s15;
	[dreg:$0xb] =	wrdreg s7  }
0xf: {  	s9 =	sadd.s32 $0x483C00, s15;
	[dreg:$0xc] =	wrdreg s8  }
0x10: {  	s10 =	sadd.s32 $0x80000, s15;
	[dreg:$0xd] =	wrdreg s9  }
0x11: {  	s11 =	sadd.s32 $0x200000, s15;
	[dreg:$0xe] =	wrdreg s10  }
0x12: {  	s30 =	simm.s32 $0x1;
	s12 =	sadd.s32 $0x380000, s15;
	[dreg:$0xf] =	wrdreg s11  }
0x13: {  	s28 =	simm.s32 $0x5880;
	s13 =	sadd.s32 $0x500000, s15;
	[dreg:$0x10] =	wrdreg s12  }
0x14: {  	s29 =	simm.s32 $0x6080;
	s14 =	sadd.s32 $0x83C00, s15;
	[dreg:$0x11] =	wrdreg s13  }
0x15: {  	s3 =	ssub.s32 $0x2, s3;
	s16 =	sadd.s32 $0x203C00, s15;
	[dreg:$0x12] =	wrdreg s14  }
0x16: {  	s17 =	sshrl.u32 s3, $0x1;
	s18 =	sadd.s32 $0x383C00, s15;
	[dreg:$0x13] =	wrdreg s16  }
0x17: {  	s3 =	ssub.s32 s3, s17;
	s19 =	sadd.s32 $0x503C00, s15;
	[dreg:$0x14] =	wrdreg s18  }
0x18: {  	s17 =	simm.s32 $0x2880;
	s20 =	sadd.s32 $0x100000, s15;
	[dreg:$0x15] =	wrdreg s19  }
0x19: {  	s21 =	sadd.s32 $0x280000, s15;
	s22 =	sadd.s32 $0x400000, s15;
	[dreg:$0x16] =	wrdreg s20  }
0x1a: {  	s23 =	sadd.s32 $0x580000, s15;
	s24 =	sadd.s32 $0x103C00, s15;
	[dreg:$0x17] =	wrdreg s21  }
0x1b: {  	s7 =	sadd.s32 $0x100, s1;
	s8 =	sadd.s32 $0x200, s1;
	[dreg:$0x18] =	wrdreg s22  }
0x1c: {  	s9 =	sadd.s32 $0x300, s1;
	s10 =	sadd.s32 $0x100, s2;
	[dreg:$0x19] =	wrdreg s23  }
0x1d: {  	s11 =	sadd.s32 $0x200, s2;
	s12 =	sadd.s32 $0x300, s2;
	[dreg:$0x1a] =	wrdreg s24  }
0x1e: {  	s25 =	sadd.s32 $0x283C00, s15;
	s13 =	sadd.s32 $0x100, s4;
	s26 =	sadd.s32 $0x403C00, s15  }
0x1f: {  	s14 =	sadd.s32 $0x200, s4;
	s31 =	sadd.s32 $0x583C00, s15;
	s15 =	sadd.s32 $0x300, s4  }
0x20: {  	s16 =	smax.u32 s3, $0x1;
	s18 =	simm.s32 $0x80;
	s6 =	simm.s32 $0x2  }
0x21: {  	s20 =	simm.s32 $0x880;
	s21 =	simm.s32 $0x1080;
	s0 =	simm.s32 $0x1880  }
0x22: {  	v2 =	vlaneseq.u32;
	s22 =	simm.s32 $0x3080;
	s23 =	simm.s32 $0x3880;
	[dreg:$0x1b] =	wrdreg s25  }
0x23: {  	vm0 =	vmmov $0xffff;
	v1 =	vshrl.u32 v2, $0x3;
	s24 =	simm.s32 $0x4080;
	s19 =	simm.s32 $0x6880;
	[dreg:$0x1c] =	wrdreg s26  }
0x24: {  	v0 =	vand.u32 $0x7, v2;
	v2 =	vor.u32 $0x8, v2;
	v1 =	vmul.u32 $0x8, v1;
	[dreg:$0x1d] =	wrdreg s31;
	s25 =	simm.s32 $0x4880;
	s26 =	simm.s32 $0x5080  }
.LBB2_1:
0x25: {  	s31 =	rddreg [dreg:$0x6];
	s3 =	simm.s32 $0x3  }
0x26: {  	[tilespmem:s5], [sflag:$0x3] =	stream.linear.gather [hbm4b:s31+s5], $0x80, $0x38;
	[tilespmem:$0x1E080] =	vst v63  }
0x27: {  	_ =	swait.ge [sflag:s3], $0x80  }
0x28: {  	[sflag:s3] =	ssyncset.done $0x0  }
0x29: {  	[sflag:s3] =	ssyncadd.s32 $0xFFFFFF80  }
0x2a: {  	v3 =	vld [tilespmem:$0x0];
	_ =	sdelay $0x4  }
0x2b: {  	v4 =	vshll.u32 v3, $0x3  }
0x2c: {  	v3 =	vand.u32 $0x7, v3;
	v4 =	vand.u32 $0xFFFFFFC0, v4  }
0x2d: {  	v3 =	vor.u32 v3, v4  }
0x2e: {  	v4 =	vperm.xlane v3, v0;
	_ =	sdelay $0x1  }
0x2f: {  	v4 =	vadd.s32 v1, v4;
	_ =	sdelay $0x4  }
0x30: {  	[tilespmem:s18], [sflag:$0x1] =	stream.indirect_vreg.gather [hbm4b:s1+s5], $0x80, v4, vm0, $0xb8;
	[tilespmem:$0x1E080] =	vst v63  }
0x31: {  	v3 =	vperm.xlane v3, v2  }
0x32: {  	[tilespmem:s20], [sflag:$0x1] =	stream.indirect_vreg.gather [hbm4b:s7+s5], $0x80, v4, vm0, $0xb8;
	[tilespmem:$0x1E080] =	vst v63  }
0x33: {  	v3 =	vadd.s32 v1, v3  }
0x34: {  	[tilespmem:s21], [sflag:$0x1] =	stream.indirect_vreg.gather [hbm4b:s8+s5], $0x80, v4, vm0, $0xb8;
	[tilespmem:$0x1E080] =	vst v63  }
0x35: {  	_ = 	snop  }
0x36: {  	[tilespmem:s0], [sflag:$0x1] =	stream.indirect_vreg.gather [hbm4b:s9+s5], $0x80, v4, vm0, $0xb8;
	[tilespmem:$0x1E080] =	vst v63  }
0x37: {  	s31 =	simm.s32 $0x2080  }
0x38: {  	[tilespmem:s31], [sflag:$0x1] =	stream.indirect_vreg.gather [hbm4b:s1+s5], $0x80, v3, vm0, $0xb8;
	[tilespmem:$0x1E080] =	vst v63  }
0x39: {  	_ = 	snop  }
0x3a: {  	[tilespmem:s17], [sflag:$0x1] =	stream.indirect_vreg.gather [hbm4b:s7+s5], $0x80, v3, vm0, $0xb8;
	[tilespmem:$0x1E080] =	vst v63  }
0x3b: {  	_ = 	snop  }
0x3c: {  	[tilespmem:s22], [sflag:$0x1] =	stream.indirect_vreg.gather [hbm4b:s8+s5], $0x80, v3, vm0, $0xb8;
	[tilespmem:$0x1E080] =	vst v63  }
0x3d: {  	_ = 	snop  }
0x3e: {  	[tilespmem:s23], [sflag:$0x1] =	stream.indirect_vreg.gather [hbm4b:s9+s5], $0x80, v3, vm0, $0xb8;
	[tilespmem:$0x1E080] =	vst v63  }
0x3f: {  	v3 =	vld [tilespmem:$0x10];
	_ =	sdelay $0x4  }
0x40: {  	v38 =	vshll.u32 v3, $0x3  }
0x41: {  	v3 =	vand.u32 $0x7, v3;
	v4 =	vand.u32 $0xFFFFFFC0, v38  }
0x42: {  	v3 =	vor.u32 v3, v4  }
0x43: {  	v4 =	vperm.xlane v3, v0;
	_ =	sdelay $0x1  }
0x44: {  	v4 =	vadd.s32 v1, v4;
	_ =	sdelay $0x4  }
0x45: {  	[tilespmem:s24], [sflag:$0x1] =	stream.indirect_vreg.gather [hbm4b:s1+s5], $0x80, v4, vm0, $0xb8;
	[tilespmem:$0x1E080] =	vst v63  }
0x46: {  	v3 =	vperm.xlane v3, v2  }
0x47: {  	[tilespmem:s25], [sflag:$0x1] =	stream.indirect_vreg.gather [hbm4b:s7+s5], $0x80, v4, vm0, $0xb8;
	[tilespmem:$0x1E080] =	vst v63  }
0x48: {  	v3 =	vadd.s32 v1, v3  }
0x49: {  	[tilespmem:s26], [sflag:$0x1] =	stream.indirect_vreg.gather [hbm4b:s8+s5], $0x80, v4, vm0, $0xb8;
	[tilespmem:$0x1E080] =	vst v63  }
0x4a: {  	_ = 	snop  }
0x4b: {  	[tilespmem:s28], [sflag:$0x1] =	stream.indirect_vreg.gather [hbm4b:s9+s5], $0x80, v4, vm0, $0xb8;
	[tilespmem:$0x1E080] =	vst v63  }
0x4c: {  	_ = 	snop  }
0x4d: {  	[tilespmem:s29], [sflag:$0x1] =	stream.indirect_vreg.gather [hbm4b:s1+s5], $0x80, v3, vm0, $0xb8;
	[tilespmem:$0x1E080] =	vst v63  }
0x4e: {  	_ = 	snop  }
0x4f: {  	[tilespmem:s19], [sflag:$0x1] =	stream.indirect_vreg.gather [hbm4b:s7+s5], $0x80, v3, vm0, $0xb8;
	[tilespmem:$0x1E080] =	vst v63  }
0x50: {  	s31 =	simm.s32 $0x7080  }
0x51: {  	[tilespmem:s31], [sflag:$0x1] =	stream.indirect_vreg.gather [hbm4b:s8+s5], $0x80, v3, vm0, $0xb8;
	[tilespmem:$0x1E080] =	vst v63  }
0x52: {  	s31 =	simm.s32 $0x7880  }
0x53: {  	[tilespmem:s31], [sflag:$0x1] =	stream.indirect_vreg.gather [hbm4b:s9+s5], $0x80, v3, vm0, $0xb8;
	[tilespmem:$0x1E080] =	vst v63  }
0x54: {  	v3 =	vld [tilespmem:$0x20];
	_ =	sdelay $0x4  }
0x55: {  	v39 =	vshll.u32 v3, $0x3  }
0x56: {  	v3 =	vand.u32 $0x7, v3;
	v4 =	vand.u32 $0xFFFFFFC0, v39  }
0x57: {  	v3 =	vor.u32 v3, v4  }
0x58: {  	v4 =	vperm.xlane v3, v0;
	_ =	sdelay $0x1  }
0x59: {  	v4 =	vadd.s32 v1, v4;
	_ =	sdelay $0x3  }
0x5a: {  	s31 =	simm.s32 $0x8080  }
0x5b: {  	[tilespmem:s31], [sflag:$0x1] =	stream.indirect_vreg.gather [hbm4b:s1+s5], $0x80, v4, vm0, $0xb8;
	[tilespmem:$0x1E080] =	vst v63  }
0x5c: {  	v3 =	vperm.xlane v3, v2;
	s31 =	simm.s32 $0x8880  }
0x5d: {  	[tilespmem:s31], [sflag:$0x1] =	stream.indirect_vreg.gather [hbm4b:s7+s5], $0x80, v4, vm0, $0xb8;
	[tilespmem:$0x1E080] =	vst v63  }
0x5e: {  	v3 =	vadd.s32 v1, v3;
	s31 =	simm.s32 $0x9080  }
0x5f: {  	[tilespmem:s31], [sflag:$0x1] =	stream.indirect_vreg.gather [hbm4b:s8+s5], $0x80, v4, vm0, $0xb8;
	[tilespmem:$0x1E080] =	vst v63  }
0x60: {  	s31 =	simm.s32 $0x9880  }
0x61: {  	[tilespmem:s31], [sflag:$0x1] =	stream.indirect_vreg.gather [hbm4b:s9+s5], $0x80, v4, vm0, $0xb8;
	[tilespmem:$0x1E080] =	vst v63  }
0x62: {  	s31 =	simm.s32 $0xA080  }
0x63: {  	[tilespmem:s31], [sflag:$0x1] =	stream.indirect_vreg.gather [hbm4b:s1+s5], $0x80, v3, vm0, $0xb8;
	[tilespmem:$0x1E080] =	vst v63  }
0x64: {  	s31 =	simm.s32 $0xA880  }
0x65: {  	[tilespmem:s31], [sflag:$0x1] =	stream.indirect_vreg.gather [hbm4b:s7+s5], $0x80, v3, vm0, $0xb8;
	[tilespmem:$0x1E080] =	vst v63  }
0x66: {  	s31 =	simm.s32 $0xB080  }
0x67: {  	[tilespmem:s31], [sflag:$0x1] =	stream.indirect_vreg.gather [hbm4b:s8+s5], $0x80, v3, vm0, $0xb8;
	[tilespmem:$0x1E080] =	vst v63  }
0x68: {  	s31 =	simm.s32 $0xB880  }
0x69: {  	[tilespmem:s31], [sflag:$0x1] =	stream.indirect_vreg.gather [hbm4b:s9+s5], $0x80, v3, vm0, $0xb8;
	[tilespmem:$0x1E080] =	vst v63  }
0x6a: {  	v3 =	vld [tilespmem:$0x30];
	_ =	sdelay $0x4  }
0x6b: {  	v40 =	vshll.u32 v3, $0x3  }
0x6c: {  	v3 =	vand.u32 $0x7, v3;
	v4 =	vand.u32 $0xFFFFFFC0, v40  }
0x6d: {  	v3 =	vor.u32 v3, v4  }
0x6e: {  	v4 =	vperm.xlane v3, v0;
	_ =	sdelay $0x1  }
0x6f: {  	v4 =	vadd.s32 v1, v4;
	_ =	sdelay $0x3  }
0x70: {  	s31 =	simm.s32 $0xC080  }
0x71: {  	[tilespmem:s31], [sflag:$0x1] =	stream.indirect_vreg.gather [hbm4b:s1+s5], $0x80, v4, vm0, $0xb8;
	[tilespmem:$0x1E080] =	vst v63  }
0x72: {  	v3 =	vperm.xlane v3, v2;
	s31 =	simm.s32 $0xC880  }
0x73: {  	[tilespmem:s31], [sflag:$0x1] =	stream.indirect_vreg.gather [hbm4b:s7+s5], $0x80, v4, vm0, $0xb8;
	[tilespmem:$0x1E080] =	vst v63  }
0x74: {  	v3 =	vadd.s32 v1, v3;
	s31 =	simm.s32 $0xD080  }
0x75: {  	[tilespmem:s31], [sflag:$0x1] =	stream.indirect_vreg.gather [hbm4b:s8+s5], $0x80, v4, vm0, $0xb8;
	[tilespmem:$0x1E080] =	vst v63  }
0x76: {  	s31 =	simm.s32 $0xD880  }
0x77: {  	[tilespmem:s31], [sflag:$0x1] =	stream.indirect_vreg.gather [hbm4b:s9+s5], $0x80, v4, vm0, $0xb8;
	[tilespmem:$0x1E080] =	vst v63  }
0x78: {  	s31 =	simm.s32 $0xE080  }
0x79: {  	[tilespmem:s31], [sflag:$0x1] =	stream.indirect_vreg.gather [hbm4b:s1+s5], $0x80, v3, vm0, $0xb8;
	[tilespmem:$0x1E080] =	vst v63  }
0x7a: {  	s31 =	simm.s32 $0xE880  }
0x7b: {  	[tilespmem:s31], [sflag:$0x1] =	stream.indirect_vreg.gather [hbm4b:s7+s5], $0x80, v3, vm0, $0xb8;
	[tilespmem:$0x1E080] =	vst v63  }
0x7c: {  	s31 =	simm.s32 $0xF080  }
0x7d: {  	[tilespmem:s31], [sflag:$0x1] =	stream.indirect_vreg.gather [hbm4b:s8+s5], $0x80, v3, vm0, $0xb8;
	[tilespmem:$0x1E080] =	vst v63  }
0x7e: {  	s31 =	simm.s32 $0xF880  }
0x7f: {  	[tilespmem:s31], [sflag:$0x1] =	stream.indirect_vreg.gather [hbm4b:s9+s5], $0x80, v3, vm0, $0xb8;
	[tilespmem:$0x1E080] =	vst v63  }
0x80: {  	v3 =	vld [tilespmem:$0x40];
	_ =	sdelay $0x4  }
0x81: {  	v41 =	vshll.u32 v3, $0x3  }
0x82: {  	v3 =	vand.u32 $0x7, v3;
	v4 =	vand.u32 $0xFFFFFFC0, v41  }
0x83: {  	v3 =	vor.u32 v3, v4  }
0x84: {  	v4 =	vperm.xlane v3, v0;
	_ =	sdelay $0x1  }
0x85: {  	v4 =	vadd.s32 v1, v4;
	_ =	sdelay $0x3  }
0x86: {  	s31 =	simm.s32 $0x10080  }
0x87: {  	[tilespmem:s31], [sflag:$0x1] =	stream.indirect_vreg.gather [hbm4b:s1+s5], $0x80, v4, vm0, $0xb8;
	[tilespmem:$0x1E080] =	vst v63  }
0x88: {  	v3 =	vperm.xlane v3, v2;
	s31 =	simm.s32 $0x10880  }
0x89: {  	[tilespmem:s31], [sflag:$0x1] =	stream.indirect_vreg.gather [hbm4b:s7+s5], $0x80, v4, vm0, $0xb8;
	[tilespmem:$0x1E080] =	vst v63  }
0x8a: {  	v3 =	vadd.s32 v1, v3;
	s31 =	simm.s32 $0x11080  }
0x8b: {  	[tilespmem:s31], [sflag:$0x1] =	stream.indirect_vreg.gather [hbm4b:s8+s5], $0x80, v4, vm0, $0xb8;
	[tilespmem:$0x1E080] =	vst v63  }
0x8c: {  	s31 =	simm.s32 $0x11880  }
0x8d: {  	[tilespmem:s31], [sflag:$0x1] =	stream.indirect_vreg.gather [hbm4b:s9+s5], $0x80, v4, vm0, $0xb8;
	[tilespmem:$0x1E080] =	vst v63  }
0x8e: {  	s31 =	simm.s32 $0x12080  }
0x8f: {  	[tilespmem:s31], [sflag:$0x1] =	stream.indirect_vreg.gather [hbm4b:s1+s5], $0x80, v3, vm0, $0xb8;
	[tilespmem:$0x1E080] =	vst v63  }
0x90: {  	s31 =	simm.s32 $0x12880  }
0x91: {  	[tilespmem:s31], [sflag:$0x1] =	stream.indirect_vreg.gather [hbm4b:s7+s5], $0x80, v3, vm0, $0xb8;
	[tilespmem:$0x1E080] =	vst v63  }
0x92: {  	s31 =	simm.s32 $0x13080  }
0x93: {  	[tilespmem:s31], [sflag:$0x1] =	stream.indirect_vreg.gather [hbm4b:s8+s5], $0x80, v3, vm0, $0xb8;
	[tilespmem:$0x1E080] =	vst v63  }
0x94: {  	s31 =	simm.s32 $0x13880  }
0x95: {  	[tilespmem:s31], [sflag:$0x1] =	stream.indirect_vreg.gather [hbm4b:s9+s5], $0x80, v3, vm0, $0xb8;
	[tilespmem:$0x1E080] =	vst v63  }
0x96: {  	v3 =	vld [tilespmem:$0x50];
	_ =	sdelay $0x4  }
0x97: {  	v42 =	vshll.u32 v3, $0x3  }
0x98: {  	v3 =	vand.u32 $0x7, v3;
	v4 =	vand.u32 $0xFFFFFFC0, v42  }
0x99: {  	v3 =	vor.u32 v3, v4  }
0x9a: {  	v4 =	vperm.xlane v3, v0;
	_ =	sdelay $0x1  }
0x9b: {  	v4 =	vadd.s32 v1, v4;
	_ =	sdelay $0x3  }
0x9c: {  	s31 =	simm.s32 $0x14080  }
0x9d: {  	[tilespmem:s31], [sflag:$0x1] =	stream.indirect_vreg.gather [hbm4b:s1+s5], $0x80, v4, vm0, $0xb8;
	[tilespmem:$0x1E080] =	vst v63  }
0x9e: {  	v3 =	vperm.xlane v3, v2;
	s31 =	simm.s32 $0x14880  }
0x9f: {  	[tilespmem:s31], [sflag:$0x1] =	stream.indirect_vreg.gather [hbm4b:s7+s5], $0x80, v4, vm0, $0xb8;
	[tilespmem:$0x1E080] =	vst v63  }
0xa0: {  	v3 =	vadd.s32 v1, v3;
	s31 =	simm.s32 $0x15080  }
0xa1: {  	[tilespmem:s31], [sflag:$0x1] =	stream.indirect_vreg.gather [hbm4b:s8+s5], $0x80, v4, vm0, $0xb8;
	[tilespmem:$0x1E080] =	vst v63  }
0xa2: {  	s31 =	simm.s32 $0x15880  }
0xa3: {  	[tilespmem:s31], [sflag:$0x1] =	stream.indirect_vreg.gather [hbm4b:s9+s5], $0x80, v4, vm0, $0xb8;
	[tilespmem:$0x1E080] =	vst v63  }
0xa4: {  	s31 =	simm.s32 $0x16080  }
0xa5: {  	[tilespmem:s31], [sflag:$0x1] =	stream.indirect_vreg.gather [hbm4b:s1+s5], $0x80, v3, vm0, $0xb8;
	[tilespmem:$0x1E080] =	vst v63  }
0xa6: {  	s31 =	simm.s32 $0x16880  }
0xa7: {  	[tilespmem:s31], [sflag:$0x1] =	stream.indirect_vreg.gather [hbm4b:s7+s5], $0x80, v3, vm0, $0xb8;
	[tilespmem:$0x1E080] =	vst v63  }
0xa8: {  	s31 =	simm.s32 $0x17080  }
0xa9: {  	[tilespmem:s31], [sflag:$0x1] =	stream.indirect_vreg.gather [hbm4b:s8+s5], $0x80, v3, vm0, $0xb8;
	[tilespmem:$0x1E080] =	vst v63  }
0xaa: {  	s31 =	simm.s32 $0x17880  }
0xab: {  	[tilespmem:s31], [sflag:$0x1] =	stream.indirect_vreg.gather [hbm4b:s9+s5], $0x80, v3, vm0, $0xb8;
	[tilespmem:$0x1E080] =	vst v63  }
0xac: {  	v3 =	vld [tilespmem:$0x60];
	_ =	sdelay $0x4  }
0xad: {  	v43 =	vshll.u32 v3, $0x3  }
0xae: {  	v3 =	vand.u32 $0x7, v3;
	v4 =	vand.u32 $0xFFFFFFC0, v43  }
0xaf: {  	v3 =	vor.u32 v3, v4  }
0xb0: {  	v4 =	vperm.xlane v3, v0;
	_ =	sdelay $0x1  }
0xb1: {  	v4 =	vadd.s32 v1, v4;
	_ =	sdelay $0x3  }
0xb2: {  	s31 =	simm.s32 $0x18080  }
0xb3: {  	[tilespmem:s31], [sflag:$0x1] =	stream.indirect_vreg.gather [hbm4b:s1+s5], $0x80, v4, vm0, $0xb8;
	[tilespmem:$0x1E080] =	vst v63  }
0xb4: {  	v3 =	vperm.xlane v3, v2;
	s31 =	simm.s32 $0x18880  }
0xb5: {  	[tilespmem:s31], [sflag:$0x1] =	stream.indirect_vreg.gather [hbm4b:s7+s5], $0x80, v4, vm0, $0xb8;
	[tilespmem:$0x1E080] =	vst v63  }
0xb6: {  	v3 =	vadd.s32 v1, v3;
	s31 =	simm.s32 $0x19080  }
0xb7: {  	[tilespmem:s31], [sflag:$0x1] =	stream.indirect_vreg.gather [hbm4b:s8+s5], $0x80, v4, vm0, $0xb8;
	[tilespmem:$0x1E080] =	vst v63  }
0xb8: {  	s31 =	simm.s32 $0x19880  }
0xb9: {  	[tilespmem:s31], [sflag:$0x1] =	stream.indirect_vreg.gather [hbm4b:s9+s5], $0x80, v4, vm0, $0xb8;
	[tilespmem:$0x1E080] =	vst v63  }
0xba: {  	s31 =	simm.s32 $0x1A080  }
0xbb: {  	[tilespmem:s31], [sflag:$0x1] =	stream.indirect_vreg.gather [hbm4b:s1+s5], $0x80, v3, vm0, $0xb8;
	[tilespmem:$0x1E080] =	vst v63  }
0xbc: {  	s31 =	simm.s32 $0x1A880  }
0xbd: {  	[tilespmem:s31], [sflag:$0x1] =	stream.indirect_vreg.gather [hbm4b:s7+s5], $0x80, v3, vm0, $0xb8;
	[tilespmem:$0x1E080] =	vst v63  }
0xbe: {  	s31 =	simm.s32 $0x1B080  }
0xbf: {  	[tilespmem:s31], [sflag:$0x1] =	stream.indirect_vreg.gather [hbm4b:s8+s5], $0x80, v3, vm0, $0xb8;
	[tilespmem:$0x1E080] =	vst v63  }
0xc0: {  	s31 =	simm.s32 $0x1B880  }
0xc1: {  	[tilespmem:s31], [sflag:$0x1] =	stream.indirect_vreg.gather [hbm4b:s9+s5], $0x80, v3, vm0, $0xb8;
	[tilespmem:$0x1E080] =	vst v63  }
0xc2: {  	v3 =	vld.msk [tilespmem:$0x70], $0xff;
	_ =	sdelay $0x4  }
0xc3: {  	v44 =	vshll.u32 v3, $0x3  }
0xc4: {  	v3 =	vand.u32 $0x7, v3;
	v4 =	vand.u32 $0xFFFFFFC0, v44  }
0xc5: {  	v3 =	vor.u32 v3, v4  }
0xc6: {  	v3 =	vperm.xlane v3, v0;
	_ =	sdelay $0x1  }
0xc7: {  	v3 =	vadd.s32 v1, v3;
	_ =	sdelay $0x3  }
0xc8: {  	s31 =	simm.s32 $0x1C080  }
0xc9: {  	[tilespmem:s31], [sflag:$0x1] =	stream.indirect_vreg.gather [hbm4b:s1+s5], $0x80, v3, vm0, $0xb8;
	[tilespmem:$0x1E080] =	vst v63  }
0xca: {  	s31 =	simm.s32 $0x1C880  }
0xcb: {  	[tilespmem:s31], [sflag:$0x1] =	stream.indirect_vreg.gather [hbm4b:s7+s5], $0x80, v3, vm0, $0xb8;
	[tilespmem:$0x1E080] =	vst v63  }
0xcc: {  	s31 =	simm.s32 $0x1D080  }
0xcd: {  	[tilespmem:s31], [sflag:$0x1] =	stream.indirect_vreg.gather [hbm4b:s8+s5], $0x80, v3, vm0, $0xb8;
	[tilespmem:$0x1E080] =	vst v63  }
0xce: {  	s31 =	simm.s32 $0x1D880  }
0xcf: {  	[tilespmem:s31], [sflag:$0x1] =	stream.indirect_vreg.gather [hbm4b:s9+s5], $0x80, v3, vm0, $0xb8;
	[tilespmem:$0x1E080] =	vst v63  }
0xd0: {  	_ =	swait.ge [sflag:s30], $0x1E000  }
0xd1: {  	[sflag:s30] =	ssyncset.done $0x0  }
0xd2: {  	s3 =	rddreg [dreg:$0x1e];
	[sflag:s30] =	ssyncadd.s32 $0xFFFE2000  }
0xd3: {  	[hbm4b:s3+s5] =	stream.linear.scatter [tilespmem:s18], [sflag:$0x2], $0x1E000, $0x38;
	[tilespmem:$0x1E080] =	vst v63  }
0xd4: {  	s31 =	rddreg [dreg:$0x7]  }
0xd5: {  	[hbm4b:s31+s5] =	stream.linear.scatter [tilespmem:s18], [sflag:$0x2], $0x1E000, $0x38;
	[tilespmem:$0x1E080] =	vst v63  }
0xd6: {  	s3 =	rddreg [dreg:$0x8]  }
0xd7: {  	[hbm4b:s3+s5] =	stream.linear.scatter [tilespmem:s18], [sflag:$0x2], $0x1E000, $0x38;
	[tilespmem:$0x1E080] =	vst v63  }
0xd8: {  	s31 =	rddreg [dreg:$0x9]  }
0xd9: {  	[hbm4b:s31+s5] =	stream.linear.scatter [tilespmem:s18], [sflag:$0x2], $0x1E000, $0x38;
	[tilespmem:$0x1E080] =	vst v63  }
0xda: {  	_ =	swait.ge [sflag:s6], $0x1E000  }
0xdb: {  	[sflag:s6] =	ssyncset.done $0x0  }
0xdc: {  	[sflag:s6] =	ssyncadd.s32 $0xFFFE2000  }
0xdd: {  	_ =	swait.ge [sflag:s6], $0x1E000  }
0xde: {  	[sflag:s6] =	ssyncset.done $0x0  }
0xdf: {  	[sflag:s6] =	ssyncadd.s32 $0xFFFE2000  }
0xe0: {  	_ =	swait.ge [sflag:s6], $0x1E000  }
0xe1: {  	[sflag:s6] =	ssyncset.done $0x0  }
0xe2: {  	[sflag:s6] =	ssyncadd.s32 $0xFFFE2000  }
0xe3: {  	_ =	swait.ge [sflag:s6], $0x1E000  }
0xe4: {  	[sflag:s6] =	ssyncset.done $0x0  }
0xe5: {  	[sflag:s6] =	ssyncadd.s32 $0xFFFE2000  }
0xe6: {  	v3 =	vld.msk [tilespmem:$0x78], $0xff;
	_ =	sdelay $0x4  }
0xe7: {  	v45 =	vshll.u32 v3, $0x3  }
0xe8: {  	v3 =	vand.u32 $0x7, v3;
	v4 =	vand.u32 $0xFFFFFFC0, v45  }
0xe9: {  	v3 =	vor.u32 v3, v4  }
0xea: {  	v3 =	vperm.xlane v3, v0;
	_ =	sdelay $0x1  }
0xeb: {  	v3 =	vadd.s32 v1, v3;
	_ =	sdelay $0x4  }
0xec: {  	[tilespmem:s18], [sflag:$0x1] =	stream.indirect_vreg.gather [hbm4b:s1+s5], $0x80, v3, vm0, $0xb8;
	[tilespmem:$0x1E080] =	vst v63  }
0xed: {  	_ = 	snop  }
0xee: {  	[tilespmem:s20], [sflag:$0x1] =	stream.indirect_vreg.gather [hbm4b:s7+s5], $0x80, v3, vm0, $0xb8;
	[tilespmem:$0x1E080] =	vst v63  }
0xef: {  	_ = 	snop  }
0xf0: {  	[tilespmem:s21], [sflag:$0x1] =	stream.indirect_vreg.gather [hbm4b:s8+s5], $0x80, v3, vm0, $0xb8;
	[tilespmem:$0x1E080] =	vst v63  }
0xf1: {  	_ = 	snop  }
0xf2: {  	[tilespmem:s0], [sflag:$0x1] =	stream.indirect_vreg.gather [hbm4b:s9+s5], $0x80, v3, vm0, $0xb8;
	[tilespmem:$0x1E080] =	vst v63  }
0xf3: {  	_ =	swait.ge [sflag:s30], $0x2000  }
0xf4: {  	[sflag:s30] =	ssyncset.done $0x0  }
0xf5: {  	s3 =	rddreg [dreg:$0xa];
	[sflag:s30] =	ssyncadd.s32 $0xFFFFE000  }
0xf6: {  	[hbm4b:s3+s5] =	stream.linear.scatter [tilespmem:s18], [sflag:$0x2], $0x2000, $0x38;
	[tilespmem:$0x1E080] =	vst v63  }
0xf7: {  	s31 =	rddreg [dreg:$0xb]  }
0xf8: {  	[hbm4b:s31+s5] =	stream.linear.scatter [tilespmem:s18], [sflag:$0x2], $0x2000, $0x38;
	[tilespmem:$0x1E080] =	vst v63  }
0xf9: {  	s3 =	rddreg [dreg:$0xc]  }
0xfa: {  	[hbm4b:s3+s5] =	stream.linear.scatter [tilespmem:s18], [sflag:$0x2], $0x2000, $0x38;
	[tilespmem:$0x1E080] =	vst v63  }
0xfb: {  	s31 =	rddreg [dreg:$0xd]  }
0xfc: {  	[hbm4b:s31+s5] =	stream.linear.scatter [tilespmem:s18], [sflag:$0x2], $0x2000, $0x38;
	[tilespmem:$0x1E080] =	vst v63  }
0xfd: {  	_ =	swait.ge [sflag:s6], $0x2000  }
0xfe: {  	[sflag:s6] =	ssyncset.done $0x0  }
0xff: {  	[sflag:s6] =	ssyncadd.s32 $0xFFFFE000  }
0x100: {  	_ =	swait.ge [sflag:s6], $0x2000  }
0x101: {  	[sflag:s6] =	ssyncset.done $0x0  }
0x102: {  	[sflag:s6] =	ssyncadd.s32 $0xFFFFE000  }
0x103: {  	_ =	swait.ge [sflag:s6], $0x2000  }
0x104: {  	[sflag:s6] =	ssyncset.done $0x0  }
0x105: {  	[sflag:s6] =	ssyncadd.s32 $0xFFFFE000  }
0x106: {  	_ =	swait.ge [sflag:s6], $0x2000  }
0x107: {  	[sflag:s6] =	ssyncset.done $0x0  }
0x108: {  	[sflag:s6] =	ssyncadd.s32 $0xFFFFE000  }
0x109: {  	v3 =	vld [tilespmem:$0x0];
	_ =	sdelay $0x4  }
0x10a: {  	v46 =	vshll.u32 v3, $0x3  }
0x10b: {  	v3 =	vand.u32 $0x7, v3;
	v4 =	vand.u32 $0xFFFFFFC0, v46  }
0x10c: {  	v3 =	vor.u32 v3, v4  }
0x10d: {  	v4 =	vperm.xlane v3, v0;
	_ =	sdelay $0x1  }
0x10e: {  	v4 =	vadd.s32 v1, v4;
	_ =	sdelay $0x4  }
0x10f: {  	[tilespmem:s18], [sflag:$0x1] =	stream.indirect_vreg.gather [hbm4b:s2+s5], $0x80, v4, vm0, $0xb8;
	[tilespmem:$0x1E080] =	vst v63  }
0x110: {  	v3 =	vperm.xlane v3, v2  }
0x111: {  	[tilespmem:s20], [sflag:$0x1] =	stream.indirect_vreg.gather [hbm4b:s10+s5], $0x80, v4, vm0, $0xb8;
	[tilespmem:$0x1E080] =	vst v63  }
0x112: {  	v3 =	vadd.s32 v1, v3  }
0x113: {  	[tilespmem:s21], [sflag:$0x1] =	stream.indirect_vreg.gather [hbm4b:s11+s5], $0x80, v4, vm0, $0xb8;
	[tilespmem:$0x1E080] =	vst v63  }
0x114: {  	_ = 	snop  }
0x115: {  	[tilespmem:s0], [sflag:$0x1] =	stream.indirect_vreg.gather [hbm4b:s12+s5], $0x80, v4, vm0, $0xb8;
	[tilespmem:$0x1E080] =	vst v63  }
0x116: {  	s31 =	simm.s32 $0x2080  }
0x117: {  	[tilespmem:s31], [sflag:$0x1] =	stream.indirect_vreg.gather [hbm4b:s2+s5], $0x80, v3, vm0, $0xb8;
	[tilespmem:$0x1E080] =	vst v63  }
0x118: {  	_ = 	snop  }
0x119: {  	[tilespmem:s17], [sflag:$0x1] =	stream.indirect_vreg.gather [hbm4b:s10+s5], $0x80, v3, vm0, $0xb8;
	[tilespmem:$0x1E080] =	vst v63  }
0x11a: {  	_ = 	snop  }
0x11b: {  	[tilespmem:s22], [sflag:$0x1] =	stream.indirect_vreg.gather [hbm4b:s11+s5], $0x80, v3, vm0, $0xb8;
	[tilespmem:$0x1E080] =	vst v63  }
0x11c: {  	_ = 	snop  }
0x11d: {  	[tilespmem:s23], [sflag:$0x1] =	stream.indirect_vreg.gather [hbm4b:s12+s5], $0x80, v3, vm0, $0xb8;
	[tilespmem:$0x1E080] =	vst v63  }
0x11e: {  	v3 =	vld [tilespmem:$0x10];
	_ =	sdelay $0x4  }
0x11f: {  	v47 =	vshll.u32 v3, $0x3  }
0x120: {  	v3 =	vand.u32 $0x7, v3;
	v4 =	vand.u32 $0xFFFFFFC0, v47  }
0x121: {  	v3 =	vor.u32 v3, v4  }
0x122: {  	v4 =	vperm.xlane v3, v0;
	_ =	sdelay $0x1  }
0x123: {  	v4 =	vadd.s32 v1, v4;
	_ =	sdelay $0x4  }
0x124: {  	[tilespmem:s24], [sflag:$0x1] =	stream.indirect_vreg.gather [hbm4b:s2+s5], $0x80, v4, vm0, $0xb8;
	[tilespmem:$0x1E080] =	vst v63  }
0x125: {  	v3 =	vperm.xlane v3, v2  }
0x126: {  	[tilespmem:s25], [sflag:$0x1] =	stream.indirect_vreg.gather [hbm4b:s10+s5], $0x80, v4, vm0, $0xb8;
	[tilespmem:$0x1E080] =	vst v63  }
0x127: {  	v3 =	vadd.s32 v1, v3  }
0x128: {  	[tilespmem:s26], [sflag:$0x1] =	stream.indirect_vreg.gather [hbm4b:s11+s5], $0x80, v4, vm0, $0xb8;
	[tilespmem:$0x1E080] =	vst v63  }
0x129: {  	_ = 	snop  }
0x12a: {  	[tilespmem:s28], [sflag:$0x1] =	stream.indirect_vreg.gather [hbm4b:s12+s5], $0x80, v4, vm0, $0xb8;
	[tilespmem:$0x1E080] =	vst v63  }
0x12b: {  	_ = 	snop  }
0x12c: {  	[tilespmem:s29], [sflag:$0x1] =	stream.indirect_vreg.gather [hbm4b:s2+s5], $0x80, v3, vm0, $0xb8;
	[tilespmem:$0x1E080] =	vst v63  }
0x12d: {  	_ = 	snop  }
0x12e: {  	[tilespmem:s19], [sflag:$0x1] =	stream.indirect_vreg.gather [hbm4b:s10+s5], $0x80, v3, vm0, $0xb8;
	[tilespmem:$0x1E080] =	vst v63  }
0x12f: {  	s31 =	simm.s32 $0x7080  }
0x130: {  	[tilespmem:s31], [sflag:$0x1] =	stream.indirect_vreg.gather [hbm4b:s11+s5], $0x80, v3, vm0, $0xb8;
	[tilespmem:$0x1E080] =	vst v63  }
0x131: {  	s31 =	simm.s32 $0x7880  }
0x132: {  	[tilespmem:s31], [sflag:$0x1] =	stream.indirect_vreg.gather [hbm4b:s12+s5], $0x80, v3, vm0, $0xb8;
	[tilespmem:$0x1E080] =	vst v63  }
0x133: {  	v3 =	vld [tilespmem:$0x20];
	_ =	sdelay $0x4  }
0x134: {  	v48 =	vshll.u32 v3, $0x3  }
0x135: {  	v3 =	vand.u32 $0x7, v3;
	v4 =	vand.u32 $0xFFFFFFC0, v48  }
0x136: {  	v3 =	vor.u32 v3, v4  }
0x137: {  	v4 =	vperm.xlane v3, v0;
	_ =	sdelay $0x1  }
0x138: {  	v4 =	vadd.s32 v1, v4;
	_ =	sdelay $0x3  }
0x139: {  	s31 =	simm.s32 $0x8080  }
0x13a: {  	[tilespmem:s31], [sflag:$0x1] =	stream.indirect_vreg.gather [hbm4b:s2+s5], $0x80, v4, vm0, $0xb8;
	[tilespmem:$0x1E080] =	vst v63  }
0x13b: {  	v3 =	vperm.xlane v3, v2;
	s31 =	simm.s32 $0x8880  }
0x13c: {  	[tilespmem:s31], [sflag:$0x1] =	stream.indirect_vreg.gather [hbm4b:s10+s5], $0x80, v4, vm0, $0xb8;
	[tilespmem:$0x1E080] =	vst v63  }
0x13d: {  	v3 =	vadd.s32 v1, v3;
	s31 =	simm.s32 $0x9080  }
0x13e: {  	[tilespmem:s31], [sflag:$0x1] =	stream.indirect_vreg.gather [hbm4b:s11+s5], $0x80, v4, vm0, $0xb8;
	[tilespmem:$0x1E080] =	vst v63  }
0x13f: {  	s31 =	simm.s32 $0x9880  }
0x140: {  	[tilespmem:s31], [sflag:$0x1] =	stream.indirect_vreg.gather [hbm4b:s12+s5], $0x80, v4, vm0, $0xb8;
	[tilespmem:$0x1E080] =	vst v63  }
0x141: {  	s31 =	simm.s32 $0xA080  }
0x142: {  	[tilespmem:s31], [sflag:$0x1] =	stream.indirect_vreg.gather [hbm4b:s2+s5], $0x80, v3, vm0, $0xb8;
	[tilespmem:$0x1E080] =	vst v63  }
0x143: {  	s31 =	simm.s32 $0xA880  }
0x144: {  	[tilespmem:s31], [sflag:$0x1] =	stream.indirect_vreg.gather [hbm4b:s10+s5], $0x80, v3, vm0, $0xb8;
	[tilespmem:$0x1E080] =	vst v63  }
0x145: {  	s31 =	simm.s32 $0xB080  }
0x146: {  	[tilespmem:s31], [sflag:$0x1] =	stream.indirect_vreg.gather [hbm4b:s11+s5], $0x80, v3, vm0, $0xb8;
	[tilespmem:$0x1E080] =	vst v63  }
0x147: {  	s31 =	simm.s32 $0xB880  }
0x148: {  	[tilespmem:s31], [sflag:$0x1] =	stream.indirect_vreg.gather [hbm4b:s12+s5], $0x80, v3, vm0, $0xb8;
	[tilespmem:$0x1E080] =	vst v63  }
0x149: {  	v3 =	vld [tilespmem:$0x30];
	_ =	sdelay $0x4  }
0x14a: {  	v49 =	vshll.u32 v3, $0x3  }
0x14b: {  	v3 =	vand.u32 $0x7, v3;
	v4 =	vand.u32 $0xFFFFFFC0, v49  }
0x14c: {  	v3 =	vor.u32 v3, v4  }
0x14d: {  	v4 =	vperm.xlane v3, v0;
	_ =	sdelay $0x1  }
0x14e: {  	v4 =	vadd.s32 v1, v4;
	_ =	sdelay $0x3  }
0x14f: {  	s31 =	simm.s32 $0xC080  }
0x150: {  	[tilespmem:s31], [sflag:$0x1] =	stream.indirect_vreg.gather [hbm4b:s2+s5], $0x80, v4, vm0, $0xb8;
	[tilespmem:$0x1E080] =	vst v63  }
0x151: {  	v3 =	vperm.xlane v3, v2;
	s31 =	simm.s32 $0xC880  }
0x152: {  	[tilespmem:s31], [sflag:$0x1] =	stream.indirect_vreg.gather [hbm4b:s10+s5], $0x80, v4, vm0, $0xb8;
	[tilespmem:$0x1E080] =	vst v63  }
0x153: {  	v3 =	vadd.s32 v1, v3;
	s31 =	simm.s32 $0xD080  }
0x154: {  	[tilespmem:s31], [sflag:$0x1] =	stream.indirect_vreg.gather [hbm4b:s11+s5], $0x80, v4, vm0, $0xb8;
	[tilespmem:$0x1E080] =	vst v63  }
0x155: {  	s31 =	simm.s32 $0xD880  }
0x156: {  	[tilespmem:s31], [sflag:$0x1] =	stream.indirect_vreg.gather [hbm4b:s12+s5], $0x80, v4, vm0, $0xb8;
	[tilespmem:$0x1E080] =	vst v63  }
0x157: {  	s31 =	simm.s32 $0xE080  }
0x158: {  	[tilespmem:s31], [sflag:$0x1] =	stream.indirect_vreg.gather [hbm4b:s2+s5], $0x80, v3, vm0, $0xb8;
	[tilespmem:$0x1E080] =	vst v63  }
0x159: {  	s31 =	simm.s32 $0xE880  }
0x15a: {  	[tilespmem:s31], [sflag:$0x1] =	stream.indirect_vreg.gather [hbm4b:s10+s5], $0x80, v3, vm0, $0xb8;
	[tilespmem:$0x1E080] =	vst v63  }
0x15b: {  	s31 =	simm.s32 $0xF080  }
0x15c: {  	[tilespmem:s31], [sflag:$0x1] =	stream.indirect_vreg.gather [hbm4b:s11+s5], $0x80, v3, vm0, $0xb8;
	[tilespmem:$0x1E080] =	vst v63  }
0x15d: {  	s31 =	simm.s32 $0xF880  }
0x15e: {  	[tilespmem:s31], [sflag:$0x1] =	stream.indirect_vreg.gather [hbm4b:s12+s5], $0x80, v3, vm0, $0xb8;
	[tilespmem:$0x1E080] =	vst v63  }
0x15f: {  	v3 =	vld [tilespmem:$0x40];
	_ =	sdelay $0x4  }
0x160: {  	v50 =	vshll.u32 v3, $0x3  }
0x161: {  	v3 =	vand.u32 $0x7, v3;
	v4 =	vand.u32 $0xFFFFFFC0, v50  }
0x162: {  	v3 =	vor.u32 v3, v4  }
0x163: {  	v4 =	vperm.xlane v3, v0;
	_ =	sdelay $0x1  }
0x164: {  	v4 =	vadd.s32 v1, v4;
	_ =	sdelay $0x3  }
0x165: {  	s31 =	simm.s32 $0x10080  }
0x166: {  	[tilespmem:s31], [sflag:$0x1] =	stream.indirect_vreg.gather [hbm4b:s2+s5], $0x80, v4, vm0, $0xb8;
	[tilespmem:$0x1E080] =	vst v63  }
0x167: {  	v3 =	vperm.xlane v3, v2;
	s31 =	simm.s32 $0x10880  }
0x168: {  	[tilespmem:s31], [sflag:$0x1] =	stream.indirect_vreg.gather [hbm4b:s10+s5], $0x80, v4, vm0, $0xb8;
	[tilespmem:$0x1E080] =	vst v63  }
0x169: {  	v3 =	vadd.s32 v1, v3;
	s31 =	simm.s32 $0x11080  }
0x16a: {  	[tilespmem:s31], [sflag:$0x1] =	stream.indirect_vreg.gather [hbm4b:s11+s5], $0x80, v4, vm0, $0xb8;
	[tilespmem:$0x1E080] =	vst v63  }
0x16b: {  	s31 =	simm.s32 $0x11880  }
0x16c: {  	[tilespmem:s31], [sflag:$0x1] =	stream.indirect_vreg.gather [hbm4b:s12+s5], $0x80, v4, vm0, $0xb8;
	[tilespmem:$0x1E080] =	vst v63  }
0x16d: {  	s31 =	simm.s32 $0x12080  }
0x16e: {  	[tilespmem:s31], [sflag:$0x1] =	stream.indirect_vreg.gather [hbm4b:s2+s5], $0x80, v3, vm0, $0xb8;
	[tilespmem:$0x1E080] =	vst v63  }
0x16f: {  	s31 =	simm.s32 $0x12880  }
0x170: {  	[tilespmem:s31], [sflag:$0x1] =	stream.indirect_vreg.gather [hbm4b:s10+s5], $0x80, v3, vm0, $0xb8;
	[tilespmem:$0x1E080] =	vst v63  }
0x171: {  	s31 =	simm.s32 $0x13080  }
0x172: {  	[tilespmem:s31], [sflag:$0x1] =	stream.indirect_vreg.gather [hbm4b:s11+s5], $0x80, v3, vm0, $0xb8;
	[tilespmem:$0x1E080] =	vst v63  }
0x173: {  	s31 =	simm.s32 $0x13880  }
0x174: {  	[tilespmem:s31], [sflag:$0x1] =	stream.indirect_vreg.gather [hbm4b:s12+s5], $0x80, v3, vm0, $0xb8;
	[tilespmem:$0x1E080] =	vst v63  }
0x175: {  	v3 =	vld [tilespmem:$0x50];
	_ =	sdelay $0x4  }
0x176: {  	v51 =	vshll.u32 v3, $0x3  }
0x177: {  	v3 =	vand.u32 $0x7, v3;
	v4 =	vand.u32 $0xFFFFFFC0, v51  }
0x178: {  	v3 =	vor.u32 v3, v4  }
0x179: {  	v4 =	vperm.xlane v3, v0;
	_ =	sdelay $0x1  }
0x17a: {  	v4 =	vadd.s32 v1, v4;
	_ =	sdelay $0x3  }
0x17b: {  	s31 =	simm.s32 $0x14080  }
0x17c: {  	[tilespmem:s31], [sflag:$0x1] =	stream.indirect_vreg.gather [hbm4b:s2+s5], $0x80, v4, vm0, $0xb8;
	[tilespmem:$0x1E080] =	vst v63  }
0x17d: {  	v3 =	vperm.xlane v3, v2;
	s31 =	simm.s32 $0x14880  }
0x17e: {  	[tilespmem:s31], [sflag:$0x1] =	stream.indirect_vreg.gather [hbm4b:s10+s5], $0x80, v4, vm0, $0xb8;
	[tilespmem:$0x1E080] =	vst v63  }
0x17f: {  	v3 =	vadd.s32 v1, v3;
	s31 =	simm.s32 $0x15080  }
0x180: {  	[tilespmem:s31], [sflag:$0x1] =	stream.indirect_vreg.gather [hbm4b:s11+s5], $0x80, v4, vm0, $0xb8;
	[tilespmem:$0x1E080] =	vst v63  }
0x181: {  	s31 =	simm.s32 $0x15880  }
0x182: {  	[tilespmem:s31], [sflag:$0x1] =	stream.indirect_vreg.gather [hbm4b:s12+s5], $0x80, v4, vm0, $0xb8;
	[tilespmem:$0x1E080] =	vst v63  }
0x183: {  	s31 =	simm.s32 $0x16080  }
0x184: {  	[tilespmem:s31], [sflag:$0x1] =	stream.indirect_vreg.gather [hbm4b:s2+s5], $0x80, v3, vm0, $0xb8;
	[tilespmem:$0x1E080] =	vst v63  }
0x185: {  	s31 =	simm.s32 $0x16880  }
0x186: {  	[tilespmem:s31], [sflag:$0x1] =	stream.indirect_vreg.gather [hbm4b:s10+s5], $0x80, v3, vm0, $0xb8;
	[tilespmem:$0x1E080] =	vst v63  }
0x187: {  	s31 =	simm.s32 $0x17080  }
0x188: {  	[tilespmem:s31], [sflag:$0x1] =	stream.indirect_vreg.gather [hbm4b:s11+s5], $0x80, v3, vm0, $0xb8;
	[tilespmem:$0x1E080] =	vst v63  }
0x189: {  	s31 =	simm.s32 $0x17880  }
0x18a: {  	[tilespmem:s31], [sflag:$0x1] =	stream.indirect_vreg.gather [hbm4b:s12+s5], $0x80, v3, vm0, $0xb8;
	[tilespmem:$0x1E080] =	vst v63  }
0x18b: {  	v3 =	vld [tilespmem:$0x60];
	_ =	sdelay $0x4  }
0x18c: {  	v52 =	vshll.u32 v3, $0x3  }
0x18d: {  	v3 =	vand.u32 $0x7, v3;
	v4 =	vand.u32 $0xFFFFFFC0, v52  }
0x18e: {  	v3 =	vor.u32 v3, v4  }
0x18f: {  	v4 =	vperm.xlane v3, v0;
	_ =	sdelay $0x1  }
0x190: {  	v4 =	vadd.s32 v1, v4;
	_ =	sdelay $0x3  }
0x191: {  	s31 =	simm.s32 $0x18080  }
0x192: {  	[tilespmem:s31], [sflag:$0x1] =	stream.indirect_vreg.gather [hbm4b:s2+s5], $0x80, v4, vm0, $0xb8;
	[tilespmem:$0x1E080] =	vst v63  }
0x193: {  	v3 =	vperm.xlane v3, v2;
	s31 =	simm.s32 $0x18880  }
0x194: {  	[tilespmem:s31], [sflag:$0x1] =	stream.indirect_vreg.gather [hbm4b:s10+s5], $0x80, v4, vm0, $0xb8;
	[tilespmem:$0x1E080] =	vst v63  }
0x195: {  	v3 =	vadd.s32 v1, v3;
	s31 =	simm.s32 $0x19080  }
0x196: {  	[tilespmem:s31], [sflag:$0x1] =	stream.indirect_vreg.gather [hbm4b:s11+s5], $0x80, v4, vm0, $0xb8;
	[tilespmem:$0x1E080] =	vst v63  }
0x197: {  	s31 =	simm.s32 $0x19880  }
0x198: {  	[tilespmem:s31], [sflag:$0x1] =	stream.indirect_vreg.gather [hbm4b:s12+s5], $0x80, v4, vm0, $0xb8;
	[tilespmem:$0x1E080] =	vst v63  }
0x199: {  	s31 =	simm.s32 $0x1A080  }
0x19a: {  	[tilespmem:s31], [sflag:$0x1] =	stream.indirect_vreg.gather [hbm4b:s2+s5], $0x80, v3, vm0, $0xb8;
	[tilespmem:$0x1E080] =	vst v63  }
0x19b: {  	s31 =	simm.s32 $0x1A880  }
0x19c: {  	[tilespmem:s31], [sflag:$0x1] =	stream.indirect_vreg.gather [hbm4b:s10+s5], $0x80, v3, vm0, $0xb8;
	[tilespmem:$0x1E080] =	vst v63  }
0x19d: {  	s31 =	simm.s32 $0x1B080  }
0x19e: {  	[tilespmem:s31], [sflag:$0x1] =	stream.indirect_vreg.gather [hbm4b:s11+s5], $0x80, v3, vm0, $0xb8;
	[tilespmem:$0x1E080] =	vst v63  }
0x19f: {  	s31 =	simm.s32 $0x1B880  }
0x1a0: {  	[tilespmem:s31], [sflag:$0x1] =	stream.indirect_vreg.gather [hbm4b:s12+s5], $0x80, v3, vm0, $0xb8;
	[tilespmem:$0x1E080] =	vst v63  }
0x1a1: {  	v3 =	vld.msk [tilespmem:$0x70], $0xff;
	_ =	sdelay $0x4  }
0x1a2: {  	v53 =	vshll.u32 v3, $0x3  }
0x1a3: {  	v3 =	vand.u32 $0x7, v3;
	v4 =	vand.u32 $0xFFFFFFC0, v53  }
0x1a4: {  	v3 =	vor.u32 v3, v4  }
0x1a5: {  	v3 =	vperm.xlane v3, v0;
	_ =	sdelay $0x1  }
0x1a6: {  	v3 =	vadd.s32 v1, v3;
	_ =	sdelay $0x3  }
0x1a7: {  	s31 =	simm.s32 $0x1C080  }
0x1a8: {  	[tilespmem:s31], [sflag:$0x1] =	stream.indirect_vreg.gather [hbm4b:s2+s5], $0x80, v3, vm0, $0xb8;
	[tilespmem:$0x1E080] =	vst v63  }
0x1a9: {  	s31 =	simm.s32 $0x1C880  }
0x1aa: {  	[tilespmem:s31], [sflag:$0x1] =	stream.indirect_vreg.gather [hbm4b:s10+s5], $0x80, v3, vm0, $0xb8;
	[tilespmem:$0x1E080] =	vst v63  }
0x1ab: {  	s31 =	simm.s32 $0x1D080  }
0x1ac: {  	[tilespmem:s31], [sflag:$0x1] =	stream.indirect_vreg.gather [hbm4b:s11+s5], $0x80, v3, vm0, $0xb8;
	[tilespmem:$0x1E080] =	vst v63  }
0x1ad: {  	s31 =	simm.s32 $0x1D880  }
0x1ae: {  	[tilespmem:s31], [sflag:$0x1] =	stream.indirect_vreg.gather [hbm4b:s12+s5], $0x80, v3, vm0, $0xb8;
	[tilespmem:$0x1E080] =	vst v63  }
0x1af: {  	_ =	swait.ge [sflag:s30], $0x1E000  }
0x1b0: {  	[sflag:s30] =	ssyncset.done $0x0  }
0x1b1: {  	s3 =	rddreg [dreg:$0xe];
	[sflag:s30] =	ssyncadd.s32 $0xFFFE2000  }
0x1b2: {  	[hbm4b:s3+s5] =	stream.linear.scatter [tilespmem:s18], [sflag:$0x2], $0x1E000, $0x38;
	[tilespmem:$0x1E080] =	vst v63  }
0x1b3: {  	s31 =	rddreg [dreg:$0xf]  }
0x1b4: {  	[hbm4b:s31+s5] =	stream.linear.scatter [tilespmem:s18], [sflag:$0x2], $0x1E000, $0x38;
	[tilespmem:$0x1E080] =	vst v63  }
0x1b5: {  	s3 =	rddreg [dreg:$0x10]  }
0x1b6: {  	[hbm4b:s3+s5] =	stream.linear.scatter [tilespmem:s18], [sflag:$0x2], $0x1E000, $0x38;
	[tilespmem:$0x1E080] =	vst v63  }
0x1b7: {  	s31 =	rddreg [dreg:$0x11]  }
0x1b8: {  	[hbm4b:s31+s5] =	stream.linear.scatter [tilespmem:s18], [sflag:$0x2], $0x1E000, $0x38;
	[tilespmem:$0x1E080] =	vst v63  }
0x1b9: {  	_ =	swait.ge [sflag:s6], $0x1E000  }
0x1ba: {  	[sflag:s6] =	ssyncset.done $0x0  }
0x1bb: {  	[sflag:s6] =	ssyncadd.s32 $0xFFFE2000  }
0x1bc: {  	_ =	swait.ge [sflag:s6], $0x1E000  }
0x1bd: {  	[sflag:s6] =	ssyncset.done $0x0  }
0x1be: {  	[sflag:s6] =	ssyncadd.s32 $0xFFFE2000  }
0x1bf: {  	_ =	swait.ge [sflag:s6], $0x1E000  }
0x1c0: {  	[sflag:s6] =	ssyncset.done $0x0  }
0x1c1: {  	[sflag:s6] =	ssyncadd.s32 $0xFFFE2000  }
0x1c2: {  	_ =	swait.ge [sflag:s6], $0x1E000  }
0x1c3: {  	[sflag:s6] =	ssyncset.done $0x0  }
0x1c4: {  	[sflag:s6] =	ssyncadd.s32 $0xFFFE2000  }
0x1c5: {  	v3 =	vld.msk [tilespmem:$0x78], $0xff;
	_ =	sdelay $0x4  }
0x1c6: {  	v54 =	vshll.u32 v3, $0x3  }
0x1c7: {  	v3 =	vand.u32 $0x7, v3;
	v4 =	vand.u32 $0xFFFFFFC0, v54  }
0x1c8: {  	v3 =	vor.u32 v3, v4  }
0x1c9: {  	v3 =	vperm.xlane v3, v0;
	_ =	sdelay $0x1  }
0x1ca: {  	v3 =	vadd.s32 v1, v3;
	_ =	sdelay $0x4  }
0x1cb: {  	[tilespmem:s18], [sflag:$0x1] =	stream.indirect_vreg.gather [hbm4b:s2+s5], $0x80, v3, vm0, $0xb8;
	[tilespmem:$0x1E080] =	vst v63  }
0x1cc: {  	_ = 	snop  }
0x1cd: {  	[tilespmem:s20], [sflag:$0x1] =	stream.indirect_vreg.gather [hbm4b:s10+s5], $0x80, v3, vm0, $0xb8;
	[tilespmem:$0x1E080] =	vst v63  }
0x1ce: {  	_ = 	snop  }
0x1cf: {  	[tilespmem:s21], [sflag:$0x1] =	stream.indirect_vreg.gather [hbm4b:s11+s5], $0x80, v3, vm0, $0xb8;
	[tilespmem:$0x1E080] =	vst v63  }
0x1d0: {  	_ = 	snop  }
0x1d1: {  	[tilespmem:s0], [sflag:$0x1] =	stream.indirect_vreg.gather [hbm4b:s12+s5], $0x80, v3, vm0, $0xb8;
	[tilespmem:$0x1E080] =	vst v63  }
0x1d2: {  	_ =	swait.ge [sflag:s30], $0x2000  }
0x1d3: {  	[sflag:s30] =	ssyncset.done $0x0  }
0x1d4: {  	s3 =	rddreg [dreg:$0x12];
	[sflag:s30] =	ssyncadd.s32 $0xFFFFE000  }
0x1d5: {  	[hbm4b:s3+s5] =	stream.linear.scatter [tilespmem:s18], [sflag:$0x2], $0x2000, $0x38;
	[tilespmem:$0x1E080] =	vst v63  }
0x1d6: {  	s31 =	rddreg [dreg:$0x13]  }
0x1d7: {  	[hbm4b:s31+s5] =	stream.linear.scatter [tilespmem:s18], [sflag:$0x2], $0x2000, $0x38;
	[tilespmem:$0x1E080] =	vst v63  }
0x1d8: {  	s3 =	rddreg [dreg:$0x14]  }
0x1d9: {  	[hbm4b:s3+s5] =	stream.linear.scatter [tilespmem:s18], [sflag:$0x2], $0x2000, $0x38;
	[tilespmem:$0x1E080] =	vst v63  }
0x1da: {  	s31 =	rddreg [dreg:$0x15]  }
0x1db: {  	[hbm4b:s31+s5] =	stream.linear.scatter [tilespmem:s18], [sflag:$0x2], $0x2000, $0x38;
	[tilespmem:$0x1E080] =	vst v63  }
0x1dc: {  	_ =	swait.ge [sflag:s6], $0x2000  }
0x1dd: {  	[sflag:s6] =	ssyncset.done $0x0  }
0x1de: {  	[sflag:s6] =	ssyncadd.s32 $0xFFFFE000  }
0x1df: {  	_ =	swait.ge [sflag:s6], $0x2000  }
0x1e0: {  	[sflag:s6] =	ssyncset.done $0x0  }
0x1e1: {  	[sflag:s6] =	ssyncadd.s32 $0xFFFFE000  }
0x1e2: {  	_ =	swait.ge [sflag:s6], $0x2000  }
0x1e3: {  	[sflag:s6] =	ssyncset.done $0x0  }
0x1e4: {  	[sflag:s6] =	ssyncadd.s32 $0xFFFFE000  }
0x1e5: {  	_ =	swait.ge [sflag:s6], $0x2000  }
0x1e6: {  	[sflag:s6] =	ssyncset.done $0x0  }
0x1e7: {  	[sflag:s6] =	ssyncadd.s32 $0xFFFFE000  }
0x1e8: {  	v3 =	vld [tilespmem:$0x0];
	_ =	sdelay $0x4  }
0x1e9: {  	v55 =	vshll.u32 v3, $0x3  }
0x1ea: {  	v3 =	vand.u32 $0x7, v3;
	v4 =	vand.u32 $0xFFFFFFC0, v55  }
0x1eb: {  	v3 =	vor.u32 v3, v4  }
0x1ec: {  	v4 =	vperm.xlane v3, v0;
	_ =	sdelay $0x1  }
0x1ed: {  	v4 =	vadd.s32 v1, v4;
	_ =	sdelay $0x4  }
0x1ee: {  	[tilespmem:s18], [sflag:$0x1] =	stream.indirect_vreg.gather [hbm4b:s4+s5], $0x80, v4, vm0, $0xb8;
	[tilespmem:$0x1E080] =	vst v63  }
0x1ef: {  	v3 =	vperm.xlane v3, v2  }
0x1f0: {  	[tilespmem:s20], [sflag:$0x1] =	stream.indirect_vreg.gather [hbm4b:s13+s5], $0x80, v4, vm0, $0xb8;
	[tilespmem:$0x1E080] =	vst v63  }
0x1f1: {  	v3 =	vadd.s32 v1, v3  }
0x1f2: {  	[tilespmem:s21], [sflag:$0x1] =	stream.indirect_vreg.gather [hbm4b:s14+s5], $0x80, v4, vm0, $0xb8;
	[tilespmem:$0x1E080] =	vst v63  }
0x1f3: {  	_ = 	snop  }
0x1f4: {  	[tilespmem:s0], [sflag:$0x1] =	stream.indirect_vreg.gather [hbm4b:s15+s5], $0x80, v4, vm0, $0xb8;
	[tilespmem:$0x1E080] =	vst v63  }
0x1f5: {  	s31 =	simm.s32 $0x2080  }
0x1f6: {  	[tilespmem:s31], [sflag:$0x1] =	stream.indirect_vreg.gather [hbm4b:s4+s5], $0x80, v3, vm0, $0xb8;
	[tilespmem:$0x1E080] =	vst v63  }
0x1f7: {  	_ = 	snop  }
0x1f8: {  	[tilespmem:s17], [sflag:$0x1] =	stream.indirect_vreg.gather [hbm4b:s13+s5], $0x80, v3, vm0, $0xb8;
	[tilespmem:$0x1E080] =	vst v63  }
0x1f9: {  	_ = 	snop  }
0x1fa: {  	[tilespmem:s22], [sflag:$0x1] =	stream.indirect_vreg.gather [hbm4b:s14+s5], $0x80, v3, vm0, $0xb8;
	[tilespmem:$0x1E080] =	vst v63  }
0x1fb: {  	_ = 	snop  }
0x1fc: {  	[tilespmem:s23], [sflag:$0x1] =	stream.indirect_vreg.gather [hbm4b:s15+s5], $0x80, v3, vm0, $0xb8;
	[tilespmem:$0x1E080] =	vst v63  }
0x1fd: {  	v3 =	vld [tilespmem:$0x10];
	_ =	sdelay $0x4  }
0x1fe: {  	v56 =	vshll.u32 v3, $0x3  }
0x1ff: {  	v3 =	vand.u32 $0x7, v3;
	v4 =	vand.u32 $0xFFFFFFC0, v56  }
0x200: {  	v3 =	vor.u32 v3, v4  }
0x201: {  	v4 =	vperm.xlane v3, v0;
	_ =	sdelay $0x1  }
0x202: {  	v4 =	vadd.s32 v1, v4;
	_ =	sdelay $0x4  }
0x203: {  	[tilespmem:s24], [sflag:$0x1] =	stream.indirect_vreg.gather [hbm4b:s4+s5], $0x80, v4, vm0, $0xb8;
	[tilespmem:$0x1E080] =	vst v63  }
0x204: {  	v3 =	vperm.xlane v3, v2  }
0x205: {  	[tilespmem:s25], [sflag:$0x1] =	stream.indirect_vreg.gather [hbm4b:s13+s5], $0x80, v4, vm0, $0xb8;
	[tilespmem:$0x1E080] =	vst v63  }
0x206: {  	v3 =	vadd.s32 v1, v3  }
0x207: {  	[tilespmem:s26], [sflag:$0x1] =	stream.indirect_vreg.gather [hbm4b:s14+s5], $0x80, v4, vm0, $0xb8;
	[tilespmem:$0x1E080] =	vst v63  }
0x208: {  	_ = 	snop  }
0x209: {  	[tilespmem:s28], [sflag:$0x1] =	stream.indirect_vreg.gather [hbm4b:s15+s5], $0x80, v4, vm0, $0xb8;
	[tilespmem:$0x1E080] =	vst v63  }
0x20a: {  	_ = 	snop  }
0x20b: {  	[tilespmem:s29], [sflag:$0x1] =	stream.indirect_vreg.gather [hbm4b:s4+s5], $0x80, v3, vm0, $0xb8;
	[tilespmem:$0x1E080] =	vst v63  }
0x20c: {  	_ = 	snop  }
0x20d: {  	[tilespmem:s19], [sflag:$0x1] =	stream.indirect_vreg.gather [hbm4b:s13+s5], $0x80, v3, vm0, $0xb8;
	[tilespmem:$0x1E080] =	vst v63  }
0x20e: {  	s31 =	simm.s32 $0x7080  }
0x20f: {  	[tilespmem:s31], [sflag:$0x1] =	stream.indirect_vreg.gather [hbm4b:s14+s5], $0x80, v3, vm0, $0xb8;
	[tilespmem:$0x1E080] =	vst v63  }
0x210: {  	s31 =	simm.s32 $0x7880  }
0x211: {  	[tilespmem:s31], [sflag:$0x1] =	stream.indirect_vreg.gather [hbm4b:s15+s5], $0x80, v3, vm0, $0xb8;
	[tilespmem:$0x1E080] =	vst v63  }
0x212: {  	v3 =	vld [tilespmem:$0x20];
	_ =	sdelay $0x4  }
0x213: {  	v57 =	vshll.u32 v3, $0x3  }
0x214: {  	v3 =	vand.u32 $0x7, v3;
	v4 =	vand.u32 $0xFFFFFFC0, v57  }
0x215: {  	v3 =	vor.u32 v3, v4  }
0x216: {  	v4 =	vperm.xlane v3, v0;
	_ =	sdelay $0x1  }
0x217: {  	v4 =	vadd.s32 v1, v4;
	_ =	sdelay $0x3  }
0x218: {  	s31 =	simm.s32 $0x8080  }
0x219: {  	[tilespmem:s31], [sflag:$0x1] =	stream.indirect_vreg.gather [hbm4b:s4+s5], $0x80, v4, vm0, $0xb8;
	[tilespmem:$0x1E080] =	vst v63  }
0x21a: {  	v3 =	vperm.xlane v3, v2;
	s31 =	simm.s32 $0x8880  }
0x21b: {  	[tilespmem:s31], [sflag:$0x1] =	stream.indirect_vreg.gather [hbm4b:s13+s5], $0x80, v4, vm0, $0xb8;
	[tilespmem:$0x1E080] =	vst v63  }
0x21c: {  	v3 =	vadd.s32 v1, v3;
	s31 =	simm.s32 $0x9080  }
0x21d: {  	[tilespmem:s31], [sflag:$0x1] =	stream.indirect_vreg.gather [hbm4b:s14+s5], $0x80, v4, vm0, $0xb8;
	[tilespmem:$0x1E080] =	vst v63  }
0x21e: {  	s31 =	simm.s32 $0x9880  }
0x21f: {  	[tilespmem:s31], [sflag:$0x1] =	stream.indirect_vreg.gather [hbm4b:s15+s5], $0x80, v4, vm0, $0xb8;
	[tilespmem:$0x1E080] =	vst v63  }
0x220: {  	s31 =	simm.s32 $0xA080  }
0x221: {  	[tilespmem:s31], [sflag:$0x1] =	stream.indirect_vreg.gather [hbm4b:s4+s5], $0x80, v3, vm0, $0xb8;
	[tilespmem:$0x1E080] =	vst v63  }
0x222: {  	s31 =	simm.s32 $0xA880  }
0x223: {  	[tilespmem:s31], [sflag:$0x1] =	stream.indirect_vreg.gather [hbm4b:s13+s5], $0x80, v3, vm0, $0xb8;
	[tilespmem:$0x1E080] =	vst v63  }
0x224: {  	s31 =	simm.s32 $0xB080  }
0x225: {  	[tilespmem:s31], [sflag:$0x1] =	stream.indirect_vreg.gather [hbm4b:s14+s5], $0x80, v3, vm0, $0xb8;
	[tilespmem:$0x1E080] =	vst v63  }
0x226: {  	s31 =	simm.s32 $0xB880  }
0x227: {  	[tilespmem:s31], [sflag:$0x1] =	stream.indirect_vreg.gather [hbm4b:s15+s5], $0x80, v3, vm0, $0xb8;
	[tilespmem:$0x1E080] =	vst v63  }
0x228: {  	v3 =	vld [tilespmem:$0x30];
	_ =	sdelay $0x4  }
0x229: {  	v58 =	vshll.u32 v3, $0x3  }
0x22a: {  	v3 =	vand.u32 $0x7, v3;
	v4 =	vand.u32 $0xFFFFFFC0, v58  }
0x22b: {  	v3 =	vor.u32 v3, v4  }
0x22c: {  	v4 =	vperm.xlane v3, v0;
	_ =	sdelay $0x1  }
0x22d: {  	v4 =	vadd.s32 v1, v4;
	_ =	sdelay $0x3  }
0x22e: {  	s31 =	simm.s32 $0xC080  }
0x22f: {  	[tilespmem:s31], [sflag:$0x1] =	stream.indirect_vreg.gather [hbm4b:s4+s5], $0x80, v4, vm0, $0xb8;
	[tilespmem:$0x1E080] =	vst v63  }
0x230: {  	v3 =	vperm.xlane v3, v2;
	s31 =	simm.s32 $0xC880  }
0x231: {  	[tilespmem:s31], [sflag:$0x1] =	stream.indirect_vreg.gather [hbm4b:s13+s5], $0x80, v4, vm0, $0xb8;
	[tilespmem:$0x1E080] =	vst v63  }
0x232: {  	v3 =	vadd.s32 v1, v3;
	s31 =	simm.s32 $0xD080  }
0x233: {  	[tilespmem:s31], [sflag:$0x1] =	stream.indirect_vreg.gather [hbm4b:s14+s5], $0x80, v4, vm0, $0xb8;
	[tilespmem:$0x1E080] =	vst v63  }
0x234: {  	s31 =	simm.s32 $0xD880  }
0x235: {  	[tilespmem:s31], [sflag:$0x1] =	stream.indirect_vreg.gather [hbm4b:s15+s5], $0x80, v4, vm0, $0xb8;
	[tilespmem:$0x1E080] =	vst v63  }
0x236: {  	s31 =	simm.s32 $0xE080  }
0x237: {  	[tilespmem:s31], [sflag:$0x1] =	stream.indirect_vreg.gather [hbm4b:s4+s5], $0x80, v3, vm0, $0xb8;
	[tilespmem:$0x1E080] =	vst v63  }
0x238: {  	s31 =	simm.s32 $0xE880  }
0x239: {  	[tilespmem:s31], [sflag:$0x1] =	stream.indirect_vreg.gather [hbm4b:s13+s5], $0x80, v3, vm0, $0xb8;
	[tilespmem:$0x1E080] =	vst v63  }
0x23a: {  	s31 =	simm.s32 $0xF080  }
0x23b: {  	[tilespmem:s31], [sflag:$0x1] =	stream.indirect_vreg.gather [hbm4b:s14+s5], $0x80, v3, vm0, $0xb8;
	[tilespmem:$0x1E080] =	vst v63  }
0x23c: {  	s31 =	simm.s32 $0xF880  }
0x23d: {  	[tilespmem:s31], [sflag:$0x1] =	stream.indirect_vreg.gather [hbm4b:s15+s5], $0x80, v3, vm0, $0xb8;
	[tilespmem:$0x1E080] =	vst v63  }
0x23e: {  	v3 =	vld [tilespmem:$0x40];
	_ =	sdelay $0x4  }
0x23f: {  	v59 =	vshll.u32 v3, $0x3  }
0x240: {  	v3 =	vand.u32 $0x7, v3;
	v4 =	vand.u32 $0xFFFFFFC0, v59  }
0x241: {  	v3 =	vor.u32 v3, v4  }
0x242: {  	v4 =	vperm.xlane v3, v0;
	_ =	sdelay $0x1  }
0x243: {  	v4 =	vadd.s32 v1, v4;
	_ =	sdelay $0x3  }
0x244: {  	s31 =	simm.s32 $0x10080  }
0x245: {  	[tilespmem:s31], [sflag:$0x1] =	stream.indirect_vreg.gather [hbm4b:s4+s5], $0x80, v4, vm0, $0xb8;
	[tilespmem:$0x1E080] =	vst v63  }
0x246: {  	v3 =	vperm.xlane v3, v2;
	s31 =	simm.s32 $0x10880  }
0x247: {  	[tilespmem:s31], [sflag:$0x1] =	stream.indirect_vreg.gather [hbm4b:s13+s5], $0x80, v4, vm0, $0xb8;
	[tilespmem:$0x1E080] =	vst v63  }
0x248: {  	v3 =	vadd.s32 v1, v3;
	s31 =	simm.s32 $0x11080  }
0x249: {  	[tilespmem:s31], [sflag:$0x1] =	stream.indirect_vreg.gather [hbm4b:s14+s5], $0x80, v4, vm0, $0xb8;
	[tilespmem:$0x1E080] =	vst v63  }
0x24a: {  	s31 =	simm.s32 $0x11880  }
0x24b: {  	[tilespmem:s31], [sflag:$0x1] =	stream.indirect_vreg.gather [hbm4b:s15+s5], $0x80, v4, vm0, $0xb8;
	[tilespmem:$0x1E080] =	vst v63  }
0x24c: {  	s31 =	simm.s32 $0x12080  }
0x24d: {  	[tilespmem:s31], [sflag:$0x1] =	stream.indirect_vreg.gather [hbm4b:s4+s5], $0x80, v3, vm0, $0xb8;
	[tilespmem:$0x1E080] =	vst v63  }
0x24e: {  	s31 =	simm.s32 $0x12880  }
0x24f: {  	[tilespmem:s31], [sflag:$0x1] =	stream.indirect_vreg.gather [hbm4b:s13+s5], $0x80, v3, vm0, $0xb8;
	[tilespmem:$0x1E080] =	vst v63  }
0x250: {  	s31 =	simm.s32 $0x13080  }
0x251: {  	[tilespmem:s31], [sflag:$0x1] =	stream.indirect_vreg.gather [hbm4b:s14+s5], $0x80, v3, vm0, $0xb8;
	[tilespmem:$0x1E080] =	vst v63  }
0x252: {  	s31 =	simm.s32 $0x13880  }
0x253: {  	[tilespmem:s31], [sflag:$0x1] =	stream.indirect_vreg.gather [hbm4b:s15+s5], $0x80, v3, vm0, $0xb8;
	[tilespmem:$0x1E080] =	vst v63  }
0x254: {  	v3 =	vld [tilespmem:$0x50];
	_ =	sdelay $0x4  }
0x255: {  	v60 =	vshll.u32 v3, $0x3  }
0x256: {  	v3 =	vand.u32 $0x7, v3;
	v4 =	vand.u32 $0xFFFFFFC0, v60  }
0x257: {  	v3 =	vor.u32 v3, v4  }
0x258: {  	v4 =	vperm.xlane v3, v0;
	_ =	sdelay $0x1  }
0x259: {  	v4 =	vadd.s32 v1, v4;
	_ =	sdelay $0x3  }
0x25a: {  	s31 =	simm.s32 $0x14080  }
0x25b: {  	[tilespmem:s31], [sflag:$0x1] =	stream.indirect_vreg.gather [hbm4b:s4+s5], $0x80, v4, vm0, $0xb8;
	[tilespmem:$0x1E080] =	vst v63  }
0x25c: {  	v3 =	vperm.xlane v3, v2;
	s31 =	simm.s32 $0x14880  }
0x25d: {  	[tilespmem:s31], [sflag:$0x1] =	stream.indirect_vreg.gather [hbm4b:s13+s5], $0x80, v4, vm0, $0xb8;
	[tilespmem:$0x1E080] =	vst v63  }
0x25e: {  	v3 =	vadd.s32 v1, v3;
	s31 =	simm.s32 $0x15080  }
0x25f: {  	[tilespmem:s31], [sflag:$0x1] =	stream.indirect_vreg.gather [hbm4b:s14+s5], $0x80, v4, vm0, $0xb8;
	[tilespmem:$0x1E080] =	vst v63  }
0x260: {  	s31 =	simm.s32 $0x15880  }
0x261: {  	[tilespmem:s31], [sflag:$0x1] =	stream.indirect_vreg.gather [hbm4b:s15+s5], $0x80, v4, vm0, $0xb8;
	[tilespmem:$0x1E080] =	vst v63  }
0x262: {  	s31 =	simm.s32 $0x16080  }
0x263: {  	[tilespmem:s31], [sflag:$0x1] =	stream.indirect_vreg.gather [hbm4b:s4+s5], $0x80, v3, vm0, $0xb8;
	[tilespmem:$0x1E080] =	vst v63  }
0x264: {  	s31 =	simm.s32 $0x16880  }
0x265: {  	[tilespmem:s31], [sflag:$0x1] =	stream.indirect_vreg.gather [hbm4b:s13+s5], $0x80, v3, vm0, $0xb8;
	[tilespmem:$0x1E080] =	vst v63  }
0x266: {  	s31 =	simm.s32 $0x17080  }
0x267: {  	[tilespmem:s31], [sflag:$0x1] =	stream.indirect_vreg.gather [hbm4b:s14+s5], $0x80, v3, vm0, $0xb8;
	[tilespmem:$0x1E080] =	vst v63  }
0x268: {  	s31 =	simm.s32 $0x17880  }
0x269: {  	[tilespmem:s31], [sflag:$0x1] =	stream.indirect_vreg.gather [hbm4b:s15+s5], $0x80, v3, vm0, $0xb8;
	[tilespmem:$0x1E080] =	vst v63  }
0x26a: {  	v3 =	vld [tilespmem:$0x60];
	_ =	sdelay $0x4  }
0x26b: {  	v61 =	vshll.u32 v3, $0x3  }
0x26c: {  	v3 =	vand.u32 $0x7, v3;
	v4 =	vand.u32 $0xFFFFFFC0, v61  }
0x26d: {  	v3 =	vor.u32 v3, v4  }
0x26e: {  	v4 =	vperm.xlane v3, v0;
	_ =	sdelay $0x1  }
0x26f: {  	v4 =	vadd.s32 v1, v4;
	_ =	sdelay $0x3  }
0x270: {  	s31 =	simm.s32 $0x18080  }
0x271: {  	[tilespmem:s31], [sflag:$0x1] =	stream.indirect_vreg.gather [hbm4b:s4+s5], $0x80, v4, vm0, $0xb8;
	[tilespmem:$0x1E080] =	vst v63  }
0x272: {  	v3 =	vperm.xlane v3, v2;
	s31 =	simm.s32 $0x18880  }
0x273: {  	[tilespmem:s31], [sflag:$0x1] =	stream.indirect_vreg.gather [hbm4b:s13+s5], $0x80, v4, vm0, $0xb8;
	[tilespmem:$0x1E080] =	vst v63  }
0x274: {  	v3 =	vadd.s32 v1, v3;
	s31 =	simm.s32 $0x19080  }
0x275: {  	[tilespmem:s31], [sflag:$0x1] =	stream.indirect_vreg.gather [hbm4b:s14+s5], $0x80, v4, vm0, $0xb8;
	[tilespmem:$0x1E080] =	vst v63  }
0x276: {  	s31 =	simm.s32 $0x19880  }
0x277: {  	[tilespmem:s31], [sflag:$0x1] =	stream.indirect_vreg.gather [hbm4b:s15+s5], $0x80, v4, vm0, $0xb8;
	[tilespmem:$0x1E080] =	vst v63  }
0x278: {  	s31 =	simm.s32 $0x1A080  }
0x279: {  	[tilespmem:s31], [sflag:$0x1] =	stream.indirect_vreg.gather [hbm4b:s4+s5], $0x80, v3, vm0, $0xb8;
	[tilespmem:$0x1E080] =	vst v63  }
0x27a: {  	s31 =	simm.s32 $0x1A880  }
0x27b: {  	[tilespmem:s31], [sflag:$0x1] =	stream.indirect_vreg.gather [hbm4b:s13+s5], $0x80, v3, vm0, $0xb8;
	[tilespmem:$0x1E080] =	vst v63  }
0x27c: {  	s31 =	simm.s32 $0x1B080  }
0x27d: {  	[tilespmem:s31], [sflag:$0x1] =	stream.indirect_vreg.gather [hbm4b:s14+s5], $0x80, v3, vm0, $0xb8;
	[tilespmem:$0x1E080] =	vst v63  }
0x27e: {  	s31 =	simm.s32 $0x1B880  }
0x27f: {  	[tilespmem:s31], [sflag:$0x1] =	stream.indirect_vreg.gather [hbm4b:s15+s5], $0x80, v3, vm0, $0xb8;
	[tilespmem:$0x1E080] =	vst v63  }
0x280: {  	v3 =	vld.msk [tilespmem:$0x70], $0xff;
	_ =	sdelay $0x4  }
0x281: {  	v62 =	vshll.u32 v3, $0x3  }
0x282: {  	v3 =	vand.u32 $0x7, v3;
	v4 =	vand.u32 $0xFFFFFFC0, v62  }
0x283: {  	v3 =	vor.u32 v3, v4  }
0x284: {  	v3 =	vperm.xlane v3, v0;
	_ =	sdelay $0x1  }
0x285: {  	v3 =	vadd.s32 v1, v3;
	_ =	sdelay $0x3  }
0x286: {  	s31 =	simm.s32 $0x1C080  }
0x287: {  	[tilespmem:s31], [sflag:$0x1] =	stream.indirect_vreg.gather [hbm4b:s4+s5], $0x80, v3, vm0, $0xb8;
	[tilespmem:$0x1E080] =	vst v63  }
0x288: {  	s31 =	simm.s32 $0x1C880  }
0x289: {  	[tilespmem:s31], [sflag:$0x1] =	stream.indirect_vreg.gather [hbm4b:s13+s5], $0x80, v3, vm0, $0xb8;
	[tilespmem:$0x1E080] =	vst v63  }
0x28a: {  	s31 =	simm.s32 $0x1D080  }
0x28b: {  	[tilespmem:s31], [sflag:$0x1] =	stream.indirect_vreg.gather [hbm4b:s14+s5], $0x80, v3, vm0, $0xb8;
	[tilespmem:$0x1E080] =	vst v63  }
0x28c: {  	s31 =	simm.s32 $0x1D880  }
0x28d: {  	[tilespmem:s31], [sflag:$0x1] =	stream.indirect_vreg.gather [hbm4b:s15+s5], $0x80, v3, vm0, $0xb8;
	[tilespmem:$0x1E080] =	vst v63  }
0x28e: {  	_ =	swait.ge [sflag:s30], $0x1E000  }
0x28f: {  	[sflag:s30] =	ssyncset.done $0x0  }
0x290: {  	s3 =	rddreg [dreg:$0x16];
	[sflag:s30] =	ssyncadd.s32 $0xFFFE2000  }
0x291: {  	[hbm4b:s3+s5] =	stream.linear.scatter [tilespmem:s18], [sflag:$0x2], $0x1E000, $0x38;
	[tilespmem:$0x1E080] =	vst v63  }
0x292: {  	s31 =	rddreg [dreg:$0x17]  }
0x293: {  	[hbm4b:s31+s5] =	stream.linear.scatter [tilespmem:s18], [sflag:$0x2], $0x1E000, $0x38;
	[tilespmem:$0x1E080] =	vst v63  }
0x294: {  	s3 =	rddreg [dreg:$0x18]  }
0x295: {  	[hbm4b:s3+s5] =	stream.linear.scatter [tilespmem:s18], [sflag:$0x2], $0x1E000, $0x38;
	[tilespmem:$0x1E080] =	vst v63  }
0x296: {  	s31 =	rddreg [dreg:$0x19]  }
0x297: {  	[hbm4b:s31+s5] =	stream.linear.scatter [tilespmem:s18], [sflag:$0x2], $0x1E000, $0x38;
	[tilespmem:$0x1E080] =	vst v63  }
0x298: {  	_ =	swait.ge [sflag:s6], $0x1E000  }
0x299: {  	[sflag:s6] =	ssyncset.done $0x0  }
0x29a: {  	[sflag:s6] =	ssyncadd.s32 $0xFFFE2000  }
0x29b: {  	_ =	swait.ge [sflag:s6], $0x1E000  }
0x29c: {  	[sflag:s6] =	ssyncset.done $0x0  }
0x29d: {  	[sflag:s6] =	ssyncadd.s32 $0xFFFE2000  }
0x29e: {  	_ =	swait.ge [sflag:s6], $0x1E000  }
0x29f: {  	[sflag:s6] =	ssyncset.done $0x0  }
0x2a0: {  	[sflag:s6] =	ssyncadd.s32 $0xFFFE2000  }
0x2a1: {  	_ =	swait.ge [sflag:s6], $0x1E000  }
0x2a2: {  	[sflag:s6] =	ssyncset.done $0x0  }
0x2a3: {  	[sflag:s6] =	ssyncadd.s32 $0xFFFE2000  }
0x2a4: {  	v3 =	vld.msk [tilespmem:$0x78], $0xff;
	_ =	sdelay $0x4  }
0x2a5: {  	v63 =	vshll.u32 v3, $0x3  }
0x2a6: {  	v3 =	vand.u32 $0x7, v3;
	v4 =	vand.u32 $0xFFFFFFC0, v63  }
0x2a7: {  	v3 =	vor.u32 v3, v4  }
0x2a8: {  	v3 =	vperm.xlane v3, v0;
	_ =	sdelay $0x1  }
0x2a9: {  	v3 =	vadd.s32 v1, v3;
	_ =	sdelay $0x4  }
0x2aa: {  	[tilespmem:s18], [sflag:$0x1] =	stream.indirect_vreg.gather [hbm4b:s4+s5], $0x80, v3, vm0, $0xb8;
	[tilespmem:$0x1E080] =	vst v63  }
0x2ab: {  	_ = 	snop  }
0x2ac: {  	[tilespmem:s20], [sflag:$0x1] =	stream.indirect_vreg.gather [hbm4b:s13+s5], $0x80, v3, vm0, $0xb8;
	[tilespmem:$0x1E080] =	vst v63  }
0x2ad: {  	_ = 	snop  }
0x2ae: {  	[tilespmem:s21], [sflag:$0x1] =	stream.indirect_vreg.gather [hbm4b:s14+s5], $0x80, v3, vm0, $0xb8;
	[tilespmem:$0x1E080] =	vst v63  }
0x2af: {  	_ = 	snop  }
0x2b0: {  	[tilespmem:s0], [sflag:$0x1] =	stream.indirect_vreg.gather [hbm4b:s15+s5], $0x80, v3, vm0, $0xb8;
	[tilespmem:$0x1E080] =	vst v63  }
0x2b1: {  	_ =	swait.ge [sflag:s30], $0x2000  }
0x2b2: {  	[sflag:s30] =	ssyncset.done $0x0  }
0x2b3: {  	s3 =	rddreg [dreg:$0x1a];
	[sflag:s30] =	ssyncadd.s32 $0xFFFFE000  }
0x2b4: {  	[hbm4b:s3+s5] =	stream.linear.scatter [tilespmem:s18], [sflag:$0x2], $0x2000, $0x38;
	[tilespmem:$0x1E080] =	vst v63  }
0x2b5: {  	s31 =	rddreg [dreg:$0x1b]  }
0x2b6: {  	[hbm4b:s31+s5] =	stream.linear.scatter [tilespmem:s18], [sflag:$0x2], $0x2000, $0x38;
	[tilespmem:$0x1E080] =	vst v63  }
0x2b7: {  	s3 =	rddreg [dreg:$0x1c]  }
0x2b8: {  	[hbm4b:s3+s5] =	stream.linear.scatter [tilespmem:s18], [sflag:$0x2], $0x2000, $0x38;
	[tilespmem:$0x1E080] =	vst v63  }
0x2b9: {  	s31 =	rddreg [dreg:$0x1d]  }
0x2ba: {  	[hbm4b:s31+s5] =	stream.linear.scatter [tilespmem:s18], [sflag:$0x2], $0x2000, $0x38;
	[tilespmem:$0x1E080] =	vst v63  }
0x2bb: {  	_ =	swait.ge [sflag:s6], $0x2000  }
0x2bc: {  	[sflag:s6] =	ssyncset.done $0x0  }
0x2bd: {  	[sflag:s6] =	ssyncadd.s32 $0xFFFFE000  }
0x2be: {  	_ =	swait.ge [sflag:s6], $0x2000  }
0x2bf: {  	[sflag:s6] =	ssyncset.done $0x0  }
0x2c0: {  	[sflag:s6] =	ssyncadd.s32 $0xFFFFE000  }
0x2c1: {  	p0 =	sne.s32 s16, $0x1;
	_ =	swait.ge [sflag:s6], $0x2000  }
.Ltmp0:
0x2c2: {  	[sflag:s6] =	ssyncset.done $0x0;
	(pc) =	sbr.rel @p0 .LBB2_1-.Ltmp0, $4  }
0x2c3: {  	[sflag:s6] =	ssyncadd.s32 $0xFFFFE000  }
0x2c4: {  	_ =	swait.ge [sflag:s6], $0x2000  }
0x2c5: {  	[sflag:s6] =	ssyncset.done $0x0  }
0x2c6: {  	s16 =	sadd.s32 $0xFFFFFFFF, s16;
	[sflag:s6] =	ssyncadd.s32 $0xFFFFE000  }
0x2c7: {  	_ =	sfence.sel $0x180000  }
0x2c8: {  	[bflag:$0x0] =	sbarrier.arrive $0xFFFF  }
0x2c9: {  	_ =	strace $0x90000047  }
0x2ca: {  	s0 =	stileid.u32;
	[bflag:$0x2] =	sbarrier.arrive $0xFFFF  }
0x2cb: {  	p0 =	sne.s32 s0, $0x0;
	s0 =	rddreg [dreg:$0x5]  }
0x2cc: {  	s0 =	sadd.s32 @!p0 $0x100000, s0  }
0x2cd: {  	[sflag:s0] =	ssyncadd.tile.s32 @!p0 $0x1;
	_ =	shalt  }
.Lfunc_end2:
_tile_overlayer_lowered:
.L_overlay_start_2:
0x2ce: {  	(tag) =	ssettag $0x2  }
0x2cf: {  	s0 =	rddreg [dreg:$0x0];
	s2 =	stileid.u32  }
0x2d0: {  	s1 =	rddreg [dreg:$0x1];
	p0 =	sne.s32 s2, $0x0  }
0x2d1: {  	s3 =	rddreg [dreg:$0x2];
	[bflag:$0x3] =	sbarrier.arrive $0xFFFF;
	s2 =	simm.s32 @!p0 $0x1C03  }
0x2d2: {  	[timem:s3], [sflag:s2] =	dma.local @!p0 [hbm:s0], s1  }
0x2d3: {  	s0 =	simm.s32 @!p0 $0x3  }
0x2d4: {  	_ =	swait.ge @!p0 [sflag:s0], s1  }
0x2d5: {  	s1 =	ssub.s32 @!p0 $0x0, s1;
	[sflag:s0] =	ssyncset.done @!p0 $0x0  }
0x2d6: {  	[sflag:s0] =	ssyncadd.s32 @!p0 s1  }
0x2d7: {  	[bflag:$0x3] =	sbarrier.arrive $0xFFFF  }
0x2d8: {  	_ =	shalt  }

</sc_bundles>
